<compile_context>
chip_gen: v7x
topology: tpu7x:2x2x1
jax: 0.10.2.dev20260603
libtpu: 0.0.44.dev20260713+nightly
codegen_flags: <defaults>
</compile_context>

<pallas_src>
import jax
import jax.numpy as jnp
from jax import lax
from jax.experimental import pallas as pl
from jax.experimental.pallas import tpu as pltpu
from jax.experimental.pallas import tpu_sc as plsc

_INFO = plsc.get_sparse_core_info()
_NC = _INFO.num_cores
_NS = _INFO.num_subcores
_NL = _INFO.num_lanes


def _make(b, s, n_rows, dim):
    groups = _NS // b
    rows_g = dim // groups
    mesh = plsc.VectorSubcoreMesh(core_axis_name="c", subcore_axis_name="s")

    @pl.kernel(
        mesh=mesh,
        compiler_params=pltpu.CompilerParams(use_tc_tiling_on_sc=True,
                                             needs_layout_passes=False),
        out_type=(
            jax.ShapeDtypeStruct((b, dim, s), jnp.float32),
            jax.ShapeDtypeStruct((b, dim, s), jnp.float32),
        ),
        scratch_types=[
            pltpu.VMEM((s,), jnp.int32),
            pltpu.VMEM((rows_g, n_rows), jnp.float32),
            pltpu.VMEM((rows_g, s), jnp.float32),
            pltpu.SemaphoreType.DMA,
            pltpu.SemaphoreType.DMA,
            pltpu.SemaphoreType.DMA,
            pltpu.SemaphoreType.DMA,
        ],
    )
    def k(pos_hbm, cos_t_hbm, sin_t_hbm, cos_out, sin_out,
          idx_v, stage_v, out_v, sem_st, sem_s2, sem_ix, sem_o1):
        cid = lax.axis_index("c")
        sid = lax.axis_index("s")
        g = sid % groups
        h = sid // groups
        d0 = g * rows_g

        def pipeline(tab_hbm, out_hbm):
            hg = rows_g // 2
            idx_cpy = pltpu.async_copy(pos_hbm.at[h], idx_v, sem_ix)
            stage0 = pltpu.async_copy(
                tab_hbm.at[pl.ds(d0, hg)], stage_v.at[pl.ds(0, hg)], sem_st)
            stage1 = pltpu.async_copy(
                tab_hbm.at[pl.ds(d0 + hg, hg)], stage_v.at[pl.ds(hg, hg)],
                sem_s2)
            zeros16 = lax.iota(jnp.int32, _NL) * 0
            row_splats = [zeros16 + r for r in range(rows_g)]
            idx_cpy.wait()
            stage0.wait()

            @plsc.parallel_loop(0, s // _NL, unroll=4)
            def body1(c):
                ids = idx_v[pl.ds(c * _NL, _NL)]
                for r in range(hg):
                    out_v[r, pl.ds(c * _NL, _NL)] = plsc.load_gather(
                        stage_v, [row_splats[r], ids])

            out1 = pltpu.async_copy(
                out_v.at[pl.ds(0, hg)],
                out_hbm.at[h, pl.ds(d0, hg)], sem_o1)
            stage1.wait()

            @plsc.parallel_loop(0, s // _NL, unroll=4)
            def body2(c):
                ids = idx_v[pl.ds(c * _NL, _NL)]
                for r in range(hg, rows_g):
                    out_v[r, pl.ds(c * _NL, _NL)] = plsc.load_gather(
                        stage_v, [row_splats[r], ids])

            pltpu.sync_copy(
                out_v.at[pl.ds(hg, hg)],
                out_hbm.at[h, pl.ds(d0 + hg, hg)])
            out1.wait()

        @pl.when(cid == 0)
        def _():
            pipeline(cos_t_hbm, cos_out)

        @pl.when(cid == 1)
        def _():
            pipeline(sin_t_hbm, sin_out)

    return k


def kernel(qkv, position_ids, cos, sin):
    b, s = position_ids.shape
    n_rows, dim = cos.shape
    cos_ot, sin_ot = _make(b, s, n_rows, dim)(
        position_ids.astype(jnp.int32), cos.T, sin.T)
    return cos_ot.transpose(0, 2, 1), sin_ot.transpose(0, 2, 1)

# --- scband reference (transcript-rebuilt; emitter-appended) ---
"""Pipeline reference for scband-torch-rotary-embedding-49589692400189 (READ-ONLY COPY).

The authoritative reference and input builder live on the scoring server;
editing this copy changes nothing except your own understanding.
"""

import jax, jax.numpy as jnp
import numpy as np

DIM = 128
MAX_POS = 8192
BASE = 10000.0
B = 2
S = 4096
D_MODEL = 4096


def _build_tables():
    positions = jnp.arange(MAX_POS, dtype=jnp.float32)
    dim_indices = jnp.arange(0, DIM, 2, dtype=jnp.float32)
    theta = 1.0 / (BASE ** (dim_indices / DIM))
    angles = jnp.einsum('i,j->ij', positions, theta)
    return jnp.cos(angles), jnp.sin(angles)


def setup_inputs(seed: int = 0) -> dict:
    key = jax.random.key(seed)
    k1, k2 = jax.random.split(key)
    qkv = jax.random.normal(k1, (B, S, D_MODEL), dtype=jnp.float32)
    position_ids = jax.random.randint(k2, (B, S), 0, MAX_POS)
    cos, sin = _build_tables()
    return {"qkv": qkv, "position_ids": position_ids, "cos": cos, "sin": sin}


def reference(qkv, position_ids, cos, sin):
    # seq_len/batch inferred from qkv; position_ids provided explicitly here
    # (matches the torch path where position_ids is not None).
    cos_emb = jnp.take(cos, position_ids, axis=0)
    sin_emb = jnp.take(sin, position_ids, axis=0)
    return (cos_emb, sin_emb)

if __name__ == "__main__":
    import jax
    _d = setup_inputs()
    print(jax.jit(kernel)(*tuple(_d.values())))

</pallas_src>

<mosaic_0001>
#map = affine_map<(d0, d1) -> (0, 0)>
#map1 = affine_map<(d0, d1) -> (0, 0, 0)>
module attributes {stable_mosaic.version = 14 : i64} {
  func.func @k(%arg0: i32, %arg1: i32, %arg2: memref<2x4096xi32, #tpu.memory_space<hbm>>, %arg3: memref<64x8192xf32, #tpu.memory_space<hbm>>, %arg4: memref<64x8192xf32, #tpu.memory_space<hbm>>, %arg5: memref<2x64x4096xf32, #tpu.memory_space<hbm>>, %arg6: memref<2x64x4096xf32, #tpu.memory_space<hbm>>, %arg7: memref<4096xi32, #tpu.memory_space<vmem>>, %arg8: memref<8x8192xf32, #tpu.memory_space<vmem>>, %arg9: memref<8x4096xf32, #tpu.memory_space<vmem>>, %arg10: memref<!tpu.dma_semaphore, #tpu.memory_space<semaphore_mem>>, %arg11: memref<!tpu.dma_semaphore, #tpu.memory_space<semaphore_mem>>, %arg12: memref<!tpu.dma_semaphore, #tpu.memory_space<semaphore_mem>>, %arg13: memref<!tpu.dma_semaphore, #tpu.memory_space<semaphore_mem>>) attributes {dimension_semantics = [#tpu.dimension_semantics<core_parallel>, #tpu.dimension_semantics<subcore_parallel>], iteration_bounds = array<i64: 2, 16>, scalar_prefetch = 0 : i64, scratch_operands = 7 : i64, tpu.core_type = #tpu.core_type<sc_vector_subcore>, window_params = [{transform_indices = #map}, {transform_indices = #map}, {transform_indices = #map}, {transform_indices = #map1}, {transform_indices = #map1}]} {
    %jit3A = arith.constant 8 : i32
    %eq3A = arith.constant 0 : i32
    %eq3A_0 = arith.cmpi eq, %jit3A, %eq3A : i32
    %jit3A_1 = arith.constant 1 : i32
    %select_n3A = arith.select %eq3A_0, %jit3A_1, %jit3A : i32
    %rem3A = arith.remsi %arg1, %select_n3A : i32
    %ne3A = arith.constant 0 : i32
    %ne3A_2 = arith.cmpi ne, %rem3A, %ne3A : i32
    %lt3A = arith.constant 0 : i32
    %lt3A_3 = arith.cmpi slt, %rem3A, %lt3A : i32
    %lt3A_4 = arith.constant 0 : i32
    %lt3A_5 = arith.cmpi slt, %select_n3A, %lt3A_4 : i32
    %ne3A_6 = arith.xori %lt3A_3, %lt3A_5 : i1
    %and3A = arith.andi %ne3A_6, %ne3A_2 : i1
    %add3A = arith.addi %rem3A, %select_n3A : i32
    %select_n3A_7 = arith.select %and3A, %add3A, %rem3A : i32
    %jit3A_8 = arith.constant 8 : i32
    %div3A = arith.divsi %arg1, %jit3A_8 : i32
    %sign3A = arith.constant 0 : i32
    %sign3A_9 = arith.cmpi sgt, %arg1, %sign3A : i32
    %sign3A_10 = arith.extui %sign3A_9 : i1 to i32
    %sign3A_11 = arith.constant 0 : i32
    %sign3A_12 = arith.cmpi slt, %arg1, %sign3A_11 : i32
    %sign3A_13 = arith.extui %sign3A_12 : i1 to i32
    %sign3A_14 = arith.subi %sign3A_10, %sign3A_13 : i32
    %sign3A_15 = arith.constant 0 : i32
    %sign3A_16 = arith.cmpi sgt, %jit3A_8, %sign3A_15 : i32
    %sign3A_17 = arith.extui %sign3A_16 : i1 to i32
    %sign3A_18 = arith.constant 0 : i32
    %sign3A_19 = arith.cmpi slt, %jit3A_8, %sign3A_18 : i32
    %sign3A_20 = arith.extui %sign3A_19 : i1 to i32
    %sign3A_21 = arith.subi %sign3A_17, %sign3A_20 : i32
    %ne3A_22 = arith.cmpi ne, %sign3A_14, %sign3A_21 : i32
    %rem3A_23 = arith.remsi %arg1, %jit3A_8 : i32
    %ne3A_24 = arith.constant 0 : i32
    %ne3A_25 = arith.cmpi ne, %rem3A_23, %ne3A_24 : i32
    %and3A_26 = arith.andi %ne3A_22, %ne3A_25 : i1
    %sub3A = arith.constant 1 : i32
    %sub3A_27 = arith.subi %div3A, %sub3A : i32
    %select_n3A_28 = arith.select %and3A_26, %sub3A_27, %div3A : i32
    %mul3A = arith.constant 8 : i32
    %mul3A_29 = arith.muli %select_n3A_7, %mul3A : i32
    %eq3A_30 = arith.constant 0 : i32
    %eq3A_31 = arith.cmpi eq, %arg0, %eq3A_30 : i32
    %convert_element_type3A = arith.extui %eq3A_31 : i1 to i32
    %cond3A = arith.constant 0 : i32
    %cond3A_32 = arith.cmpi ne, %convert_element_type3A, %cond3A : i32
    scf.if %cond3A_32 {
      %dma_start3A = arith.constant 0 : i32
      %dma_start3A_38 = tpu.memref_slice %arg2[%select_n3A_28, %dma_start3A] : memref<2x4096xi32, #tpu.memory_space<hbm>> -> memref<1x4096xi32, #tpu.memory_space<hbm>>
      %dma_start3A_39 = tpu.memref_squeeze %dma_start3A_38 : memref<1x4096xi32, #tpu.memory_space<hbm>> -> memref<4096xi32, #tpu.memory_space<hbm>>
      %dma_start3A_40 = arith.constant 0 : i32
      %dma_start3A_41 = tpu.memref_slice %arg2[%select_n3A_28, %dma_start3A_40] : memref<2x4096xi32, #tpu.memory_space<hbm>> -> memref<1x4096xi32, #tpu.memory_space<hbm>>
      %dma_start3A_42 = tpu.memref_squeeze %dma_start3A_41 : memref<1x4096xi32, #tpu.memory_space<hbm>> -> memref<4096xi32, #tpu.memory_space<hbm>>
      tpu.enqueue_dma source(%dma_start3A_42 : memref<4096xi32, #tpu.memory_space<hbm>>) target(%arg7 : memref<4096xi32, #tpu.memory_space<vmem>>) target_semaphore(%arg12 : memref<!tpu.dma_semaphore, #tpu.memory_space<semaphore_mem>>)
      %dma_start3A_43 = arith.constant 0 : i32
      %dma_start3A_44 = arith.constant 0 : i32
      %dma_start3A_45 = tpu.memref_slice %arg8[%dma_start3A_43, %dma_start3A_44] : memref<8x8192xf32, #tpu.memory_space<vmem>> -> memref<4x8192xf32, #tpu.memory_space<vmem>>
      %dma_start3A_46 = arith.constant 0 : i32
      %dma_start3A_47 = tpu.memref_slice %arg3[%mul3A_29, %dma_start3A_46] : memref<64x8192xf32, #tpu.memory_space<hbm>> -> memref<4x8192xf32, #tpu.memory_space<hbm>>
      %dma_start3A_48 = arith.constant 0 : i32
      %dma_start3A_49 = arith.constant 0 : i32
      %dma_start3A_50 = tpu.memref_slice %arg8[%dma_start3A_48, %dma_start3A_49] : memref<8x8192xf32, #tpu.memory_space<vmem>> -> memref<4x8192xf32, #tpu.memory_space<vmem>>
      %dma_start3A_51 = arith.constant 0 : i32
      %dma_start3A_52 = tpu.memref_slice %arg3[%mul3A_29, %dma_start3A_51] : memref<64x8192xf32, #tpu.memory_space<hbm>> -> memref<4x8192xf32, #tpu.memory_space<hbm>>
      tpu.enqueue_dma source(%dma_start3A_52 : memref<4x8192xf32, #tpu.memory_space<hbm>>) target(%dma_start3A_50 : memref<4x8192xf32, #tpu.memory_space<vmem>>) target_semaphore(%arg10 : memref<!tpu.dma_semaphore, #tpu.memory_space<semaphore_mem>>)
      %add3A_53 = arith.constant 4 : i32
      %add3A_54 = arith.addi %mul3A_29, %add3A_53 : i32
      %dma_start3A_55 = arith.constant 4 : i32
      %dma_start3A_56 = arith.constant 0 : i32
      %dma_start3A_57 = tpu.memref_slice %arg8[%dma_start3A_55, %dma_start3A_56] : memref<8x8192xf32, #tpu.memory_space<vmem>> -> memref<4x8192xf32, #tpu.memory_space<vmem>>
      %dma_start3A_58 = arith.constant 0 : i32
      %dma_start3A_59 = tpu.memref_slice %arg3[%add3A_54, %dma_start3A_58] : memref<64x8192xf32, #tpu.memory_space<hbm>> -> memref<4x8192xf32, #tpu.memory_space<hbm>>
      %dma_start3A_60 = arith.constant 4 : i32
      %dma_start3A_61 = arith.constant 0 : i32
      %dma_start3A_62 = tpu.memref_slice %arg8[%dma_start3A_60, %dma_start3A_61] : memref<8x8192xf32, #tpu.memory_space<vmem>> -> memref<4x8192xf32, #tpu.memory_space<vmem>>
      %dma_start3A_63 = arith.constant 0 : i32
      %dma_start3A_64 = tpu.memref_slice %arg3[%add3A_54, %dma_start3A_63] : memref<64x8192xf32, #tpu.memory_space<hbm>> -> memref<4x8192xf32, #tpu.memory_space<hbm>>
      tpu.enqueue_dma source(%dma_start3A_64 : memref<4x8192xf32, #tpu.memory_space<hbm>>) target(%dma_start3A_62 : memref<4x8192xf32, #tpu.memory_space<vmem>>) target_semaphore(%arg11 : memref<!tpu.dma_semaphore, #tpu.memory_space<semaphore_mem>>)
      %iota3A = tpu.iota {dimensions = array<i32: 0>} : vector<16xi32>
      %mul3A_65 = arith.constant 0 : i32
      %mul3A_66 = vector.broadcast %mul3A_65 : i32 to vector<16xi32>
      %mul3A_67 = arith.muli %iota3A, %mul3A_66 : vector<16xi32>
      %add3A_68 = arith.constant 0 : i32
      %add3A_69 = vector.broadcast %add3A_68 : i32 to vector<16xi32>
      %add3A_70 = arith.addi %mul3A_67, %add3A_69 : vector<16xi32>
      %add3A_71 = arith.constant 1 : i32
      %add3A_72 = vector.broadcast %add3A_71 : i32 to vector<16xi32>
      %add3A_73 = arith.addi %mul3A_67, %add3A_72 : vector<16xi32>
      %add3A_74 = arith.constant 2 : i32
      %add3A_75 = vector.broadcast %add3A_74 : i32 to vector<16xi32>
      %add3A_76 = arith.addi %mul3A_67, %add3A_75 : vector<16xi32>
      %add3A_77 = arith.constant 3 : i32
      %add3A_78 = vector.broadcast %add3A_77 : i32 to vector<16xi32>
      %add3A_79 = arith.addi %mul3A_67, %add3A_78 : vector<16xi32>
      %add3A_80 = arith.constant 4 : i32
      %add3A_81 = vector.broadcast %add3A_80 : i32 to vector<16xi32>
      %add3A_82 = arith.addi %mul3A_67, %add3A_81 : vector<16xi32>
      %add3A_83 = arith.constant 5 : i32
      %add3A_84 = vector.broadcast %add3A_83 : i32 to vector<16xi32>
      %add3A_85 = arith.addi %mul3A_67, %add3A_84 : vector<16xi32>
      %add3A_86 = arith.constant 6 : i32
      %add3A_87 = vector.broadcast %add3A_86 : i32 to vector<16xi32>
      %add3A_88 = arith.addi %mul3A_67, %add3A_87 : vector<16xi32>
      %add3A_89 = arith.constant 7 : i32
      %add3A_90 = vector.broadcast %add3A_89 : i32 to vector<16xi32>
      %add3A_91 = arith.addi %mul3A_67, %add3A_90 : vector<16xi32>
      %dma_wait3A = arith.constant 0 : i32
      %dma_wait3A_92 = tpu.memref_slice %arg2[%select_n3A_28, %dma_wait3A] : memref<2x4096xi32, #tpu.memory_space<hbm>> -> memref<1x4096xi32, #tpu.memory_space<hbm>>
      %dma_wait3A_93 = tpu.memref_squeeze %dma_wait3A_92 : memref<1x4096xi32, #tpu.memory_space<hbm>> -> memref<4096xi32, #tpu.memory_space<hbm>>
      %dma_wait3A_94 = arith.constant 0 : i32
      %dma_wait3A_95 = tpu.memref_slice %arg2[%select_n3A_28, %dma_wait3A_94] : memref<2x4096xi32, #tpu.memory_space<hbm>> -> memref<1x4096xi32, #tpu.memory_space<hbm>>
      %dma_wait3A_96 = tpu.memref_squeeze %dma_wait3A_95 : memref<1x4096xi32, #tpu.memory_space<hbm>> -> memref<4096xi32, #tpu.memory_space<hbm>>
      tpu.wait_dma2 semaphore(%arg12 : memref<!tpu.dma_semaphore, #tpu.memory_space<semaphore_mem>>) src(%dma_wait3A_96 : memref<4096xi32, #tpu.memory_space<hbm>>) dst(%arg7 : memref<4096xi32, #tpu.memory_space<vmem>>)
      %dma_wait3A_97 = arith.constant 0 : i32
      %dma_wait3A_98 = arith.constant 0 : i32
      %dma_wait3A_99 = tpu.memref_slice %arg8[%dma_wait3A_97, %dma_wait3A_98] : memref<8x8192xf32, #tpu.memory_space<vmem>> -> memref<4x8192xf32, #tpu.memory_space<vmem>>
      %dma_wait3A_100 = arith.constant 0 : i32
      %dma_wait3A_101 = tpu.memref_slice %arg3[%mul3A_29, %dma_wait3A_100] : memref<64x8192xf32, #tpu.memory_space<hbm>> -> memref<4x8192xf32, #tpu.memory_space<hbm>>
      %dma_wait3A_102 = arith.constant 0 : i32
      %dma_wait3A_103 = arith.constant 0 : i32
      %dma_wait3A_104 = tpu.memref_slice %arg8[%dma_wait3A_102, %dma_wait3A_103] : memref<8x8192xf32, #tpu.memory_space<vmem>> -> memref<4x8192xf32, #tpu.memory_space<vmem>>
      %dma_wait3A_105 = arith.constant 0 : i32
      %dma_wait3A_106 = tpu.memref_slice %arg3[%mul3A_29, %dma_wait3A_105] : memref<64x8192xf32, #tpu.memory_space<hbm>> -> memref<4x8192xf32, #tpu.memory_space<hbm>>
      tpu.wait_dma2 semaphore(%arg10 : memref<!tpu.dma_semaphore, #tpu.memory_space<semaphore_mem>>) src(%dma_wait3A_106 : memref<4x8192xf32, #tpu.memory_space<hbm>>) dst(%dma_wait3A_104 : memref<4x8192xf32, #tpu.memory_space<vmem>>)
      %parallel_loop3A = arith.constant 0 : i32
      %parallel_loop3A_107 = arith.constant 256 : i32
      %parallel_loop3A_108 = arith.constant 1 : i32
      scf.for %parallel_loop3A_148 = %parallel_loop3A to %parallel_loop3A_107 step %parallel_loop3A_108  : i32 {
        %parallel_loop3A_149 = arith.constant 16 : i32
        %parallel_loop3A_150 = arith.muli %parallel_loop3A_148, %parallel_loop3A_149 : i32
        %parallel_loop3A_151 = arith.index_cast %parallel_loop3A_150 : i32 to index
        %parallel_loop3A_152 = tpu.vector_load %arg7[%parallel_loop3A_151] {strides = array<i32>} : memref<4096xi32, #tpu.memory_space<vmem>>, vector<16xi32>,
        %parallel_loop3A_153 = tpu.vector_load_idx %arg8[%add3A_70, %parallel_loop3A_152] : memref<8x8192xf32, #tpu.memory_space<vmem>>[vector<16xi32>, vector<16xi32>], vector<16xf32>,
        %parallel_loop3A_154 = arith.constant 16 : i32
        %parallel_loop3A_155 = arith.muli %parallel_loop3A_148, %parallel_loop3A_154 : i32
        %parallel_loop3A_156 = arith.constant 0 : i32
        %parallel_loop3A_157 = arith.index_cast %parallel_loop3A_156 : i32 to index
        %parallel_loop3A_158 = arith.index_cast %parallel_loop3A_155 : i32 to index
        %parallel_loop3A_159 = tpu.vector_load %arg9[%parallel_loop3A_157, %parallel_loop3A_158] {strides = array<i32>} : memref<8x4096xf32, #tpu.memory_space<vmem>>, vector<16xf32>,
        tpu.vector_store %arg9[%parallel_loop3A_157, %parallel_loop3A_158], %parallel_loop3A_153 {strides = array<i32>} : memref<8x4096xf32, #tpu.memory_space<vmem>>, vector<16xf32>,
        %parallel_loop3A_160 = tpu.vector_load_idx %arg8[%add3A_73, %parallel_loop3A_152] : memref<8x8192xf32, #tpu.memory_space<vmem>>[vector<16xi32>, vector<16xi32>], vector<16xf32>,
        %parallel_loop3A_161 = arith.constant 16 : i32
        %parallel_loop3A_162 = arith.muli %parallel_loop3A_148, %parallel_loop3A_161 : i32
        %parallel_loop3A_163 = arith.constant 1 : i32
        %parallel_loop3A_164 = arith.index_cast %parallel_loop3A_163 : i32 to index
        %parallel_loop3A_165 = arith.index_cast %parallel_loop3A_162 : i32 to index
        %parallel_loop3A_166 = tpu.vector_load %arg9[%parallel_loop3A_164, %parallel_loop3A_165] {strides = array<i32>} : memref<8x4096xf32, #tpu.memory_space<vmem>>, vector<16xf32>,
        tpu.vector_store %arg9[%parallel_loop3A_164, %parallel_loop3A_165], %parallel_loop3A_160 {strides = array<i32>} : memref<8x4096xf32, #tpu.memory_space<vmem>>, vector<16xf32>,
        %parallel_loop3A_167 = tpu.vector_load_idx %arg8[%add3A_76, %parallel_loop3A_152] : memref<8x8192xf32, #tpu.memory_space<vmem>>[vector<16xi32>, vector<16xi32>], vector<16xf32>,
        %parallel_loop3A_168 = arith.constant 16 : i32
        %parallel_loop3A_169 = arith.muli %parallel_loop3A_148, %parallel_loop3A_168 : i32
        %parallel_loop3A_170 = arith.constant 2 : i32
        %parallel_loop3A_171 = arith.index_cast %parallel_loop3A_170 : i32 to index
        %parallel_loop3A_172 = arith.index_cast %parallel_loop3A_169 : i32 to index
        %parallel_loop3A_173 = tpu.vector_load %arg9[%parallel_loop3A_171, %parallel_loop3A_172] {strides = array<i32>} : memref<8x4096xf32, #tpu.memory_space<vmem>>, vector<16xf32>,
        tpu.vector_store %arg9[%parallel_loop3A_171, %parallel_loop3A_172], %parallel_loop3A_167 {strides = array<i32>} : memref<8x4096xf32, #tpu.memory_space<vmem>>, vector<16xf32>,
        %parallel_loop3A_174 = tpu.vector_load_idx %arg8[%add3A_79, %parallel_loop3A_152] : memref<8x8192xf32, #tpu.memory_space<vmem>>[vector<16xi32>, vector<16xi32>], vector<16xf32>,
        %parallel_loop3A_175 = arith.constant 16 : i32
        %parallel_loop3A_176 = arith.muli %parallel_loop3A_148, %parallel_loop3A_175 : i32
        %parallel_loop3A_177 = arith.constant 3 : i32
        %parallel_loop3A_178 = arith.index_cast %parallel_loop3A_177 : i32 to index
        %parallel_loop3A_179 = arith.index_cast %parallel_loop3A_176 : i32 to index
        %parallel_loop3A_180 = tpu.vector_load %arg9[%parallel_loop3A_178, %parallel_loop3A_179] {strides = array<i32>} : memref<8x4096xf32, #tpu.memory_space<vmem>>, vector<16xf32>,
        tpu.vector_store %arg9[%parallel_loop3A_178, %parallel_loop3A_179], %parallel_loop3A_174 {strides = array<i32>} : memref<8x4096xf32, #tpu.memory_space<vmem>>, vector<16xf32>,
      } {sc.loop_unroll_factor = 4 : i64, sc.parallel_access}
      %dma_start3A_109 = arith.constant 0 : i32
      %dma_start3A_110 = arith.constant 0 : i32
      %dma_start3A_111 = tpu.memref_slice %arg9[%dma_start3A_109, %dma_start3A_110] : memref<8x4096xf32, #tpu.memory_space<vmem>> -> memref<4x4096xf32, #tpu.memory_space<vmem>>
      %dma_start3A_112 = arith.constant 0 : i32
      %dma_start3A_113 = tpu.memref_slice %arg5[%select_n3A_28, %mul3A_29, %dma_start3A_112] : memref<2x64x4096xf32, #tpu.memory_space<hbm>> -> memref<1x4x4096xf32, #tpu.memory_space<hbm>>
      %dma_start3A_114 = tpu.memref_squeeze %dma_start3A_113 : memref<1x4x4096xf32, #tpu.memory_space<hbm>> -> memref<4x4096xf32, #tpu.memory_space<hbm>>
      %dma_start3A_115 = arith.constant 0 : i32
      %dma_start3A_116 = tpu.memref_slice %arg5[%select_n3A_28, %mul3A_29, %dma_start3A_115] : memref<2x64x4096xf32, #tpu.memory_space<hbm>> -> memref<1x4x4096xf32, #tpu.memory_space<hbm>>
      %dma_start3A_117 = tpu.memref_squeeze %dma_start3A_116 : memref<1x4x4096xf32, #tpu.memory_space<hbm>> -> memref<4x4096xf32, #tpu.memory_space<hbm>>
      %dma_start3A_118 = arith.constant 0 : i32
      %dma_start3A_119 = arith.constant 0 : i32
      %dma_start3A_120 = tpu.memref_slice %arg9[%dma_start3A_118, %dma_start3A_119] : memref<8x4096xf32, #tpu.memory_space<vmem>> -> memref<4x4096xf32, #tpu.memory_space<vmem>>
      tpu.enqueue_dma source(%dma_start3A_120 : memref<4x4096xf32, #tpu.memory_space<vmem>>) target(%dma_start3A_117 : memref<4x4096xf32, #tpu.memory_space<hbm>>) target_semaphore(%arg13 : memref<!tpu.dma_semaphore, #tpu.memory_space<semaphore_mem>>)
      %dma_wait3A_121 = arith.constant 4 : i32
      %dma_wait3A_122 = arith.constant 0 : i32
      %dma_wait3A_123 = tpu.memref_slice %arg8[%dma_wait3A_121, %dma_wait3A_122] : memref<8x8192xf32, #tpu.memory_space<vmem>> -> memref<4x8192xf32, #tpu.memory_space<vmem>>
      %dma_wait3A_124 = arith.constant 0 : i32
      %dma_wait3A_125 = tpu.memref_slice %arg3[%add3A_54, %dma_wait3A_124] : memref<64x8192xf32, #tpu.memory_space<hbm>> -> memref<4x8192xf32, #tpu.memory_space<hbm>>
      %dma_wait3A_126 = arith.constant 4 : i32
      %dma_wait3A_127 = arith.constant 0 : i32
      %dma_wait3A_128 = tpu.memref_slice %arg8[%dma_wait3A_126, %dma_wait3A_127] : memref<8x8192xf32, #tpu.memory_space<vmem>> -> memref<4x8192xf32, #tpu.memory_space<vmem>>
      %dma_wait3A_129 = arith.constant 0 : i32
      %dma_wait3A_130 = tpu.memref_slice %arg3[%add3A_54, %dma_wait3A_129] : memref<64x8192xf32, #tpu.memory_space<hbm>> -> memref<4x8192xf32, #tpu.memory_space<hbm>>
      tpu.wait_dma2 semaphore(%arg11 : memref<!tpu.dma_semaphore, #tpu.memory_space<semaphore_mem>>) src(%dma_wait3A_130 : memref<4x8192xf32, #tpu.memory_space<hbm>>) dst(%dma_wait3A_128 : memref<4x8192xf32, #tpu.memory_space<vmem>>)
      %parallel_loop3A_131 = arith.constant 0 : i32
      %parallel_loop3A_132 = arith.constant 256 : i32
      %parallel_loop3A_133 = arith.constant 1 : i32
      scf.for %parallel_loop3A_148 = %parallel_loop3A_131 to %parallel_loop3A_132 step %parallel_loop3A_133  : i32 {
        %parallel_loop3A_149 = arith.constant 16 : i32
        %parallel_loop3A_150 = arith.muli %parallel_loop3A_148, %parallel_loop3A_149 : i32
        %parallel_loop3A_151 = arith.index_cast %parallel_loop3A_150 : i32 to index
        %parallel_loop3A_152 = tpu.vector_load %arg7[%parallel_loop3A_151] {strides = array<i32>} : memref<4096xi32, #tpu.memory_space<vmem>>, vector<16xi32>,
        %parallel_loop3A_153 = tpu.vector_load_idx %arg8[%add3A_82, %parallel_loop3A_152] : memref<8x8192xf32, #tpu.memory_space<vmem>>[vector<16xi32>, vector<16xi32>], vector<16xf32>,
        %parallel_loop3A_154 = arith.constant 16 : i32
        %parallel_loop3A_155 = arith.muli %parallel_loop3A_148, %parallel_loop3A_154 : i32
        %parallel_loop3A_156 = arith.constant 4 : i32
        %parallel_loop3A_157 = arith.index_cast %parallel_loop3A_156 : i32 to index
        %parallel_loop3A_158 = arith.index_cast %parallel_loop3A_155 : i32 to index
        %parallel_loop3A_159 = tpu.vector_load %arg9[%parallel_loop3A_157, %parallel_loop3A_158] {strides = array<i32>} : memref<8x4096xf32, #tpu.memory_space<vmem>>, vector<16xf32>,
        tpu.vector_store %arg9[%parallel_loop3A_157, %parallel_loop3A_158], %parallel_loop3A_153 {strides = array<i32>} : memref<8x4096xf32, #tpu.memory_space<vmem>>, vector<16xf32>,
        %parallel_loop3A_160 = tpu.vector_load_idx %arg8[%add3A_85, %parallel_loop3A_152] : memref<8x8192xf32, #tpu.memory_space<vmem>>[vector<16xi32>, vector<16xi32>], vector<16xf32>,
        %parallel_loop3A_161 = arith.constant 16 : i32
        %parallel_loop3A_162 = arith.muli %parallel_loop3A_148, %parallel_loop3A_161 : i32
        %parallel_loop3A_163 = arith.constant 5 : i32
        %parallel_loop3A_164 = arith.index_cast %parallel_loop3A_163 : i32 to index
        %parallel_loop3A_165 = arith.index_cast %parallel_loop3A_162 : i32 to index
        %parallel_loop3A_166 = tpu.vector_load %arg9[%parallel_loop3A_164, %parallel_loop3A_165] {strides = array<i32>} : memref<8x4096xf32, #tpu.memory_space<vmem>>, vector<16xf32>,
        tpu.vector_store %arg9[%parallel_loop3A_164, %parallel_loop3A_165], %parallel_loop3A_160 {strides = array<i32>} : memref<8x4096xf32, #tpu.memory_space<vmem>>, vector<16xf32>,
        %parallel_loop3A_167 = tpu.vector_load_idx %arg8[%add3A_88, %parallel_loop3A_152] : memref<8x8192xf32, #tpu.memory_space<vmem>>[vector<16xi32>, vector<16xi32>], vector<16xf32>,
        %parallel_loop3A_168 = arith.constant 16 : i32
        %parallel_loop3A_169 = arith.muli %parallel_loop3A_148, %parallel_loop3A_168 : i32
        %parallel_loop3A_170 = arith.constant 6 : i32
        %parallel_loop3A_171 = arith.index_cast %parallel_loop3A_170 : i32 to index
        %parallel_loop3A_172 = arith.index_cast %parallel_loop3A_169 : i32 to index
        %parallel_loop3A_173 = tpu.vector_load %arg9[%parallel_loop3A_171, %parallel_loop3A_172] {strides = array<i32>} : memref<8x4096xf32, #tpu.memory_space<vmem>>, vector<16xf32>,
        tpu.vector_store %arg9[%parallel_loop3A_171, %parallel_loop3A_172], %parallel_loop3A_167 {strides = array<i32>} : memref<8x4096xf32, #tpu.memory_space<vmem>>, vector<16xf32>,
        %parallel_loop3A_174 = tpu.vector_load_idx %arg8[%add3A_91, %parallel_loop3A_152] : memref<8x8192xf32, #tpu.memory_space<vmem>>[vector<16xi32>, vector<16xi32>], vector<16xf32>,
        %parallel_loop3A_175 = arith.constant 16 : i32
        %parallel_loop3A_176 = arith.muli %parallel_loop3A_148, %parallel_loop3A_175 : i32
        %parallel_loop3A_177 = arith.constant 7 : i32
        %parallel_loop3A_178 = arith.index_cast %parallel_loop3A_177 : i32 to index
        %parallel_loop3A_179 = arith.index_cast %parallel_loop3A_176 : i32 to index
        %parallel_loop3A_180 = tpu.vector_load %arg9[%parallel_loop3A_178, %parallel_loop3A_179] {strides = array<i32>} : memref<8x4096xf32, #tpu.memory_space<vmem>>, vector<16xf32>,
        tpu.vector_store %arg9[%parallel_loop3A_178, %parallel_loop3A_179], %parallel_loop3A_174 {strides = array<i32>} : memref<8x4096xf32, #tpu.memory_space<vmem>>, vector<16xf32>,
      } {sc.loop_unroll_factor = 4 : i64, sc.parallel_access}
      %add3A_134 = arith.constant 4 : i32
      %add3A_135 = arith.addi %mul3A_29, %add3A_134 : i32
      "tpu.region"() ({
        %run_scoped3A = tpu.sem_alloc : memref<!tpu.dma_semaphore, #tpu.memory_space<semaphore_mem>>
        %dma_start3A_148 = arith.constant 4 : i32
        %dma_start3A_149 = arith.constant 0 : i32
        %dma_start3A_150 = tpu.memref_slice %arg9[%dma_start3A_148, %dma_start3A_149] : memref<8x4096xf32, #tpu.memory_space<vmem>> -> memref<4x4096xf32, #tpu.memory_space<vmem>>
        %dma_start3A_151 = arith.constant 0 : i32
        %dma_start3A_152 = tpu.memref_slice %arg5[%select_n3A_28, %add3A_135, %dma_start3A_151] : memref<2x64x4096xf32, #tpu.memory_space<hbm>> -> memref<1x4x4096xf32, #tpu.memory_space<hbm>>
        %dma_start3A_153 = tpu.memref_squeeze %dma_start3A_152 : memref<1x4x4096xf32, #tpu.memory_space<hbm>> -> memref<4x4096xf32, #tpu.memory_space<hbm>>
        %dma_start3A_154 = arith.constant 0 : i32
        %dma_start3A_155 = tpu.memref_slice %arg5[%select_n3A_28, %add3A_135, %dma_start3A_154] : memref<2x64x4096xf32, #tpu.memory_space<hbm>> -> memref<1x4x4096xf32, #tpu.memory_space<hbm>>
        %dma_start3A_156 = tpu.memref_squeeze %dma_start3A_155 : memref<1x4x4096xf32, #tpu.memory_space<hbm>> -> memref<4x4096xf32, #tpu.memory_space<hbm>>
        %dma_start3A_157 = arith.constant 4 : i32
        %dma_start3A_158 = arith.constant 0 : i32
        %dma_start3A_159 = tpu.memref_slice %arg9[%dma_start3A_157, %dma_start3A_158] : memref<8x4096xf32, #tpu.memory_space<vmem>> -> memref<4x4096xf32, #tpu.memory_space<vmem>>
        tpu.enqueue_dma source(%dma_start3A_159 : memref<4x4096xf32, #tpu.memory_space<vmem>>) target(%dma_start3A_156 : memref<4x4096xf32, #tpu.memory_space<hbm>>) target_semaphore(%run_scoped3A : memref<!tpu.dma_semaphore, #tpu.memory_space<semaphore_mem>>)
        %dma_wait3A_160 = arith.constant 4 : i32
        %dma_wait3A_161 = arith.constant 0 : i32
        %dma_wait3A_162 = tpu.memref_slice %arg9[%dma_wait3A_160, %dma_wait3A_161] : memref<8x4096xf32, #tpu.memory_space<vmem>> -> memref<4x4096xf32, #tpu.memory_space<vmem>>
        %dma_wait3A_163 = arith.constant 0 : i32
        %dma_wait3A_164 = tpu.memref_slice %arg5[%select_n3A_28, %add3A_135, %dma_wait3A_163] : memref<2x64x4096xf32, #tpu.memory_space<hbm>> -> memref<1x4x4096xf32, #tpu.memory_space<hbm>>
        %dma_wait3A_165 = tpu.memref_squeeze %dma_wait3A_164 : memref<1x4x4096xf32, #tpu.memory_space<hbm>> -> memref<4x4096xf32, #tpu.memory_space<hbm>>
        %dma_wait3A_166 = arith.constant 0 : i32
        %dma_wait3A_167 = tpu.memref_slice %arg5[%select_n3A_28, %add3A_135, %dma_wait3A_166] : memref<2x64x4096xf32, #tpu.memory_space<hbm>> -> memref<1x4x4096xf32, #tpu.memory_space<hbm>>
        %dma_wait3A_168 = tpu.memref_squeeze %dma_wait3A_167 : memref<1x4x4096xf32, #tpu.memory_space<hbm>> -> memref<4x4096xf32, #tpu.memory_space<hbm>>
        %dma_wait3A_169 = arith.constant 4 : i32
        %dma_wait3A_170 = arith.constant 0 : i32
        %dma_wait3A_171 = tpu.memref_slice %arg9[%dma_wait3A_169, %dma_wait3A_170] : memref<8x4096xf32, #tpu.memory_space<vmem>> -> memref<4x4096xf32, #tpu.memory_space<vmem>>
        tpu.wait_dma2 semaphore(%run_scoped3A : memref<!tpu.dma_semaphore, #tpu.memory_space<semaphore_mem>>) src(%dma_wait3A_171 : memref<4x4096xf32, #tpu.memory_space<vmem>>) dst(%dma_wait3A_168 : memref<4x4096xf32, #tpu.memory_space<hbm>>)
        tpu.yield
      }) : () -> ()
      %dma_wait3A_136 = arith.constant 0 : i32
      %dma_wait3A_137 = arith.constant 0 : i32
      %dma_wait3A_138 = tpu.memref_slice %arg9[%dma_wait3A_136, %dma_wait3A_137] : memref<8x4096xf32, #tpu.memory_space<vmem>> -> memref<4x4096xf32, #tpu.memory_space<vmem>>
      %dma_wait3A_139 = arith.constant 0 : i32
      %dma_wait3A_140 = tpu.memref_slice %arg5[%select_n3A_28, %mul3A_29, %dma_wait3A_139] : memref<2x64x4096xf32, #tpu.memory_space<hbm>> -> memref<1x4x4096xf32, #tpu.memory_space<hbm>>
      %dma_wait3A_141 = tpu.memref_squeeze %dma_wait3A_140 : memref<1x4x4096xf32, #tpu.memory_space<hbm>> -> memref<4x4096xf32, #tpu.memory_space<hbm>>
      %dma_wait3A_142 = arith.constant 0 : i32
      %dma_wait3A_143 = tpu.memref_slice %arg5[%select_n3A_28, %mul3A_29, %dma_wait3A_142] : memref<2x64x4096xf32, #tpu.memory_space<hbm>> -> memref<1x4x4096xf32, #tpu.memory_space<hbm>>
      %dma_wait3A_144 = tpu.memref_squeeze %dma_wait3A_143 : memref<1x4x4096xf32, #tpu.memory_space<hbm>> -> memref<4x4096xf32, #tpu.memory_space<hbm>>
      %dma_wait3A_145 = arith.constant 0 : i32
      %dma_wait3A_146 = arith.constant 0 : i32
      %dma_wait3A_147 = tpu.memref_slice %arg9[%dma_wait3A_145, %dma_wait3A_146] : memref<8x4096xf32, #tpu.memory_space<vmem>> -> memref<4x4096xf32, #tpu.memory_space<vmem>>
      tpu.wait_dma2 semaphore(%arg13 : memref<!tpu.dma_semaphore, #tpu.memory_space<semaphore_mem>>) src(%dma_wait3A_147 : memref<4x4096xf32, #tpu.memory_space<vmem>>) dst(%dma_wait3A_144 : memref<4x4096xf32, #tpu.memory_space<hbm>>)
    } else {
    }
    %eq3A_33 = arith.constant 1 : i32
    %eq3A_34 = arith.cmpi eq, %arg0, %eq3A_33 : i32
    %convert_element_type3A_35 = arith.extui %eq3A_34 : i1 to i32
    %cond3A_36 = arith.constant 0 : i32
    %cond3A_37 = arith.cmpi ne, %convert_element_type3A_35, %cond3A_36 : i32
    scf.if %cond3A_37 {
      %dma_start3A = arith.constant 0 : i32
      %dma_start3A_38 = tpu.memref_slice %arg2[%select_n3A_28, %dma_start3A] : memref<2x4096xi32, #tpu.memory_space<hbm>> -> memref<1x4096xi32, #tpu.memory_space<hbm>>
      %dma_start3A_39 = tpu.memref_squeeze %dma_start3A_38 : memref<1x4096xi32, #tpu.memory_space<hbm>> -> memref<4096xi32, #tpu.memory_space<hbm>>
      %dma_start3A_40 = arith.constant 0 : i32
      %dma_start3A_41 = tpu.memref_slice %arg2[%select_n3A_28, %dma_start3A_40] : memref<2x4096xi32, #tpu.memory_space<hbm>> -> memref<1x4096xi32, #tpu.memory_space<hbm>>
      %dma_start3A_42 = tpu.memref_squeeze %dma_start3A_41 : memref<1x4096xi32, #tpu.memory_space<hbm>> -> memref<4096xi32, #tpu.memory_space<hbm>>
      tpu.enqueue_dma source(%dma_start3A_42 : memref<4096xi32, #tpu.memory_space<hbm>>) target(%arg7 : memref<4096xi32, #tpu.memory_space<vmem>>) target_semaphore(%arg12 : memref<!tpu.dma_semaphore, #tpu.memory_space<semaphore_mem>>)
      %dma_start3A_43 = arith.constant 0 : i32
      %dma_start3A_44 = arith.constant 0 : i32
      %dma_start3A_45 = tpu.memref_slice %arg8[%dma_start3A_43, %dma_start3A_44] : memref<8x8192xf32, #tpu.memory_space<vmem>> -> memref<4x8192xf32, #tpu.memory_space<vmem>>
      %dma_start3A_46 = arith.constant 0 : i32
      %dma_start3A_47 = tpu.memref_slice %arg4[%mul3A_29, %dma_start3A_46] : memref<64x8192xf32, #tpu.memory_space<hbm>> -> memref<4x8192xf32, #tpu.memory_space<hbm>>
      %dma_start3A_48 = arith.constant 0 : i32
      %dma_start3A_49 = arith.constant 0 : i32
      %dma_start3A_50 = tpu.memref_slice %arg8[%dma_start3A_48, %dma_start3A_49] : memref<8x8192xf32, #tpu.memory_space<vmem>> -> memref<4x8192xf32, #tpu.memory_space<vmem>>
      %dma_start3A_51 = arith.constant 0 : i32
      %dma_start3A_52 = tpu.memref_slice %arg4[%mul3A_29, %dma_start3A_51] : memref<64x8192xf32, #tpu.memory_space<hbm>> -> memref<4x8192xf32, #tpu.memory_space<hbm>>
      tpu.enqueue_dma source(%dma_start3A_52 : memref<4x8192xf32, #tpu.memory_space<hbm>>) target(%dma_start3A_50 : memref<4x8192xf32, #tpu.memory_space<vmem>>) target_semaphore(%arg10 : memref<!tpu.dma_semaphore, #tpu.memory_space<semaphore_mem>>)
      %add3A_53 = arith.constant 4 : i32
      %add3A_54 = arith.addi %mul3A_29, %add3A_53 : i32
      %dma_start3A_55 = arith.constant 4 : i32
      %dma_start3A_56 = arith.constant 0 : i32
      %dma_start3A_57 = tpu.memref_slice %arg8[%dma_start3A_55, %dma_start3A_56] : memref<8x8192xf32, #tpu.memory_space<vmem>> -> memref<4x8192xf32, #tpu.memory_space<vmem>>
      %dma_start3A_58 = arith.constant 0 : i32
      %dma_start3A_59 = tpu.memref_slice %arg4[%add3A_54, %dma_start3A_58] : memref<64x8192xf32, #tpu.memory_space<hbm>> -> memref<4x8192xf32, #tpu.memory_space<hbm>>
      %dma_start3A_60 = arith.constant 4 : i32
      %dma_start3A_61 = arith.constant 0 : i32
      %dma_start3A_62 = tpu.memref_slice %arg8[%dma_start3A_60, %dma_start3A_61] : memref<8x8192xf32, #tpu.memory_space<vmem>> -> memref<4x8192xf32, #tpu.memory_space<vmem>>
      %dma_start3A_63 = arith.constant 0 : i32
      %dma_start3A_64 = tpu.memref_slice %arg4[%add3A_54, %dma_start3A_63] : memref<64x8192xf32, #tpu.memory_space<hbm>> -> memref<4x8192xf32, #tpu.memory_space<hbm>>
      tpu.enqueue_dma source(%dma_start3A_64 : memref<4x8192xf32, #tpu.memory_space<hbm>>) target(%dma_start3A_62 : memref<4x8192xf32, #tpu.memory_space<vmem>>) target_semaphore(%arg11 : memref<!tpu.dma_semaphore, #tpu.memory_space<semaphore_mem>>)
      %iota3A = tpu.iota {dimensions = array<i32: 0>} : vector<16xi32>
      %mul3A_65 = arith.constant 0 : i32
      %mul3A_66 = vector.broadcast %mul3A_65 : i32 to vector<16xi32>
      %mul3A_67 = arith.muli %iota3A, %mul3A_66 : vector<16xi32>
      %add3A_68 = arith.constant 0 : i32
      %add3A_69 = vector.broadcast %add3A_68 : i32 to vector<16xi32>
      %add3A_70 = arith.addi %mul3A_67, %add3A_69 : vector<16xi32>
      %add3A_71 = arith.constant 1 : i32
      %add3A_72 = vector.broadcast %add3A_71 : i32 to vector<16xi32>
      %add3A_73 = arith.addi %mul3A_67, %add3A_72 : vector<16xi32>
      %add3A_74 = arith.constant 2 : i32
      %add3A_75 = vector.broadcast %add3A_74 : i32 to vector<16xi32>
      %add3A_76 = arith.addi %mul3A_67, %add3A_75 : vector<16xi32>
      %add3A_77 = arith.constant 3 : i32
      %add3A_78 = vector.broadcast %add3A_77 : i32 to vector<16xi32>
      %add3A_79 = arith.addi %mul3A_67, %add3A_78 : vector<16xi32>
      %add3A_80 = arith.constant 4 : i32
      %add3A_81 = vector.broadcast %add3A_80 : i32 to vector<16xi32>
      %add3A_82 = arith.addi %mul3A_67, %add3A_81 : vector<16xi32>
      %add3A_83 = arith.constant 5 : i32
      %add3A_84 = vector.broadcast %add3A_83 : i32 to vector<16xi32>
      %add3A_85 = arith.addi %mul3A_67, %add3A_84 : vector<16xi32>
      %add3A_86 = arith.constant 6 : i32
      %add3A_87 = vector.broadcast %add3A_86 : i32 to vector<16xi32>
      %add3A_88 = arith.addi %mul3A_67, %add3A_87 : vector<16xi32>
      %add3A_89 = arith.constant 7 : i32
      %add3A_90 = vector.broadcast %add3A_89 : i32 to vector<16xi32>
      %add3A_91 = arith.addi %mul3A_67, %add3A_90 : vector<16xi32>
      %dma_wait3A = arith.constant 0 : i32
      %dma_wait3A_92 = tpu.memref_slice %arg2[%select_n3A_28, %dma_wait3A] : memref<2x4096xi32, #tpu.memory_space<hbm>> -> memref<1x4096xi32, #tpu.memory_space<hbm>>
      %dma_wait3A_93 = tpu.memref_squeeze %dma_wait3A_92 : memref<1x4096xi32, #tpu.memory_space<hbm>> -> memref<4096xi32, #tpu.memory_space<hbm>>
      %dma_wait3A_94 = arith.constant 0 : i32
      %dma_wait3A_95 = tpu.memref_slice %arg2[%select_n3A_28, %dma_wait3A_94] : memref<2x4096xi32, #tpu.memory_space<hbm>> -> memref<1x4096xi32, #tpu.memory_space<hbm>>
      %dma_wait3A_96 = tpu.memref_squeeze %dma_wait3A_95 : memref<1x4096xi32, #tpu.memory_space<hbm>> -> memref<4096xi32, #tpu.memory_space<hbm>>
      tpu.wait_dma2 semaphore(%arg12 : memref<!tpu.dma_semaphore, #tpu.memory_space<semaphore_mem>>) src(%dma_wait3A_96 : memref<4096xi32, #tpu.memory_space<hbm>>) dst(%arg7 : memref<4096xi32, #tpu.memory_space<vmem>>)
      %dma_wait3A_97 = arith.constant 0 : i32
      %dma_wait3A_98 = arith.constant 0 : i32
      %dma_wait3A_99 = tpu.memref_slice %arg8[%dma_wait3A_97, %dma_wait3A_98] : memref<8x8192xf32, #tpu.memory_space<vmem>> -> memref<4x8192xf32, #tpu.memory_space<vmem>>
      %dma_wait3A_100 = arith.constant 0 : i32
      %dma_wait3A_101 = tpu.memref_slice %arg4[%mul3A_29, %dma_wait3A_100] : memref<64x8192xf32, #tpu.memory_space<hbm>> -> memref<4x8192xf32, #tpu.memory_space<hbm>>
      %dma_wait3A_102 = arith.constant 0 : i32
      %dma_wait3A_103 = arith.constant 0 : i32
      %dma_wait3A_104 = tpu.memref_slice %arg8[%dma_wait3A_102, %dma_wait3A_103] : memref<8x8192xf32, #tpu.memory_space<vmem>> -> memref<4x8192xf32, #tpu.memory_space<vmem>>
      %dma_wait3A_105 = arith.constant 0 : i32
      %dma_wait3A_106 = tpu.memref_slice %arg4[%mul3A_29, %dma_wait3A_105] : memref<64x8192xf32, #tpu.memory_space<hbm>> -> memref<4x8192xf32, #tpu.memory_space<hbm>>
      tpu.wait_dma2 semaphore(%arg10 : memref<!tpu.dma_semaphore, #tpu.memory_space<semaphore_mem>>) src(%dma_wait3A_106 : memref<4x8192xf32, #tpu.memory_space<hbm>>) dst(%dma_wait3A_104 : memref<4x8192xf32, #tpu.memory_space<vmem>>)
      %parallel_loop3A = arith.constant 0 : i32
      %parallel_loop3A_107 = arith.constant 256 : i32
      %parallel_loop3A_108 = arith.constant 1 : i32
      scf.for %parallel_loop3A_148 = %parallel_loop3A to %parallel_loop3A_107 step %parallel_loop3A_108  : i32 {
        %parallel_loop3A_149 = arith.constant 16 : i32
        %parallel_loop3A_150 = arith.muli %parallel_loop3A_148, %parallel_loop3A_149 : i32
        %parallel_loop3A_151 = arith.index_cast %parallel_loop3A_150 : i32 to index
        %parallel_loop3A_152 = tpu.vector_load %arg7[%parallel_loop3A_151] {strides = array<i32>} : memref<4096xi32, #tpu.memory_space<vmem>>, vector<16xi32>,
        %parallel_loop3A_153 = tpu.vector_load_idx %arg8[%add3A_70, %parallel_loop3A_152] : memref<8x8192xf32, #tpu.memory_space<vmem>>[vector<16xi32>, vector<16xi32>], vector<16xf32>,
        %parallel_loop3A_154 = arith.constant 16 : i32
        %parallel_loop3A_155 = arith.muli %parallel_loop3A_148, %parallel_loop3A_154 : i32
        %parallel_loop3A_156 = arith.constant 0 : i32
        %parallel_loop3A_157 = arith.index_cast %parallel_loop3A_156 : i32 to index
        %parallel_loop3A_158 = arith.index_cast %parallel_loop3A_155 : i32 to index
        %parallel_loop3A_159 = tpu.vector_load %arg9[%parallel_loop3A_157, %parallel_loop3A_158] {strides = array<i32>} : memref<8x4096xf32, #tpu.memory_space<vmem>>, vector<16xf32>,
        tpu.vector_store %arg9[%parallel_loop3A_157, %parallel_loop3A_158], %parallel_loop3A_153 {strides = array<i32>} : memref<8x4096xf32, #tpu.memory_space<vmem>>, vector<16xf32>,
        %parallel_loop3A_160 = tpu.vector_load_idx %arg8[%add3A_73, %parallel_loop3A_152] : memref<8x8192xf32, #tpu.memory_space<vmem>>[vector<16xi32>, vector<16xi32>], vector<16xf32>,
        %parallel_loop3A_161 = arith.constant 16 : i32
        %parallel_loop3A_162 = arith.muli %parallel_loop3A_148, %parallel_loop3A_161 : i32
        %parallel_loop3A_163 = arith.constant 1 : i32
        %parallel_loop3A_164 = arith.index_cast %parallel_loop3A_163 : i32 to index
        %parallel_loop3A_165 = arith.index_cast %parallel_loop3A_162 : i32 to index
        %parallel_loop3A_166 = tpu.vector_load %arg9[%parallel_loop3A_164, %parallel_loop3A_165] {strides = array<i32>} : memref<8x4096xf32, #tpu.memory_space<vmem>>, vector<16xf32>,
        tpu.vector_store %arg9[%parallel_loop3A_164, %parallel_loop3A_165], %parallel_loop3A_160 {strides = array<i32>} : memref<8x4096xf32, #tpu.memory_space<vmem>>, vector<16xf32>,
        %parallel_loop3A_167 = tpu.vector_load_idx %arg8[%add3A_76, %parallel_loop3A_152] : memref<8x8192xf32, #tpu.memory_space<vmem>>[vector<16xi32>, vector<16xi32>], vector<16xf32>,
        %parallel_loop3A_168 = arith.constant 16 : i32
        %parallel_loop3A_169 = arith.muli %parallel_loop3A_148, %parallel_loop3A_168 : i32
        %parallel_loop3A_170 = arith.constant 2 : i32
        %parallel_loop3A_171 = arith.index_cast %parallel_loop3A_170 : i32 to index
        %parallel_loop3A_172 = arith.index_cast %parallel_loop3A_169 : i32 to index
        %parallel_loop3A_173 = tpu.vector_load %arg9[%parallel_loop3A_171, %parallel_loop3A_172] {strides = array<i32>} : memref<8x4096xf32, #tpu.memory_space<vmem>>, vector<16xf32>,
        tpu.vector_store %arg9[%parallel_loop3A_171, %parallel_loop3A_172], %parallel_loop3A_167 {strides = array<i32>} : memref<8x4096xf32, #tpu.memory_space<vmem>>, vector<16xf32>,
        %parallel_loop3A_174 = tpu.vector_load_idx %arg8[%add3A_79, %parallel_loop3A_152] : memref<8x8192xf32, #tpu.memory_space<vmem>>[vector<16xi32>, vector<16xi32>], vector<16xf32>,
        %parallel_loop3A_175 = arith.constant 16 : i32
        %parallel_loop3A_176 = arith.muli %parallel_loop3A_148, %parallel_loop3A_175 : i32
        %parallel_loop3A_177 = arith.constant 3 : i32
        %parallel_loop3A_178 = arith.index_cast %parallel_loop3A_177 : i32 to index
        %parallel_loop3A_179 = arith.index_cast %parallel_loop3A_176 : i32 to index
        %parallel_loop3A_180 = tpu.vector_load %arg9[%parallel_loop3A_178, %parallel_loop3A_179] {strides = array<i32>} : memref<8x4096xf32, #tpu.memory_space<vmem>>, vector<16xf32>,
        tpu.vector_store %arg9[%parallel_loop3A_178, %parallel_loop3A_179], %parallel_loop3A_174 {strides = array<i32>} : memref<8x4096xf32, #tpu.memory_space<vmem>>, vector<16xf32>,
      } {sc.loop_unroll_factor = 4 : i64, sc.parallel_access}
      %dma_start3A_109 = arith.constant 0 : i32
      %dma_start3A_110 = arith.constant 0 : i32
      %dma_start3A_111 = tpu.memref_slice %arg9[%dma_start3A_109, %dma_start3A_110] : memref<8x4096xf32, #tpu.memory_space<vmem>> -> memref<4x4096xf32, #tpu.memory_space<vmem>>
      %dma_start3A_112 = arith.constant 0 : i32
      %dma_start3A_113 = tpu.memref_slice %arg6[%select_n3A_28, %mul3A_29, %dma_start3A_112] : memref<2x64x4096xf32, #tpu.memory_space<hbm>> -> memref<1x4x4096xf32, #tpu.memory_space<hbm>>
      %dma_start3A_114 = tpu.memref_squeeze %dma_start3A_113 : memref<1x4x4096xf32, #tpu.memory_space<hbm>> -> memref<4x4096xf32, #tpu.memory_space<hbm>>
      %dma_start3A_115 = arith.constant 0 : i32
      %dma_start3A_116 = tpu.memref_slice %arg6[%select_n3A_28, %mul3A_29, %dma_start3A_115] : memref<2x64x4096xf32, #tpu.memory_space<hbm>> -> memref<1x4x4096xf32, #tpu.memory_space<hbm>>
      %dma_start3A_117 = tpu.memref_squeeze %dma_start3A_116 : memref<1x4x4096xf32, #tpu.memory_space<hbm>> -> memref<4x4096xf32, #tpu.memory_space<hbm>>
      %dma_start3A_118 = arith.constant 0 : i32
      %dma_start3A_119 = arith.constant 0 : i32
      %dma_start3A_120 = tpu.memref_slice %arg9[%dma_start3A_118, %dma_start3A_119] : memref<8x4096xf32, #tpu.memory_space<vmem>> -> memref<4x4096xf32, #tpu.memory_space<vmem>>
      tpu.enqueue_dma source(%dma_start3A_120 : memref<4x4096xf32, #tpu.memory_space<vmem>>) target(%dma_start3A_117 : memref<4x4096xf32, #tpu.memory_space<hbm>>) target_semaphore(%arg13 : memref<!tpu.dma_semaphore, #tpu.memory_space<semaphore_mem>>)
      %dma_wait3A_121 = arith.constant 4 : i32
      %dma_wait3A_122 = arith.constant 0 : i32
      %dma_wait3A_123 = tpu.memref_slice %arg8[%dma_wait3A_121, %dma_wait3A_122] : memref<8x8192xf32, #tpu.memory_space<vmem>> -> memref<4x8192xf32, #tpu.memory_space<vmem>>
      %dma_wait3A_124 = arith.constant 0 : i32
      %dma_wait3A_125 = tpu.memref_slice %arg4[%add3A_54, %dma_wait3A_124] : memref<64x8192xf32, #tpu.memory_space<hbm>> -> memref<4x8192xf32, #tpu.memory_space<hbm>>
      %dma_wait3A_126 = arith.constant 4 : i32
      %dma_wait3A_127 = arith.constant 0 : i32
      %dma_wait3A_128 = tpu.memref_slice %arg8[%dma_wait3A_126, %dma_wait3A_127] : memref<8x8192xf32, #tpu.memory_space<vmem>> -> memref<4x8192xf32, #tpu.memory_space<vmem>>
      %dma_wait3A_129 = arith.constant 0 : i32
      %dma_wait3A_130 = tpu.memref_slice %arg4[%add3A_54, %dma_wait3A_129] : memref<64x8192xf32, #tpu.memory_space<hbm>> -> memref<4x8192xf32, #tpu.memory_space<hbm>>
      tpu.wait_dma2 semaphore(%arg11 : memref<!tpu.dma_semaphore, #tpu.memory_space<semaphore_mem>>) src(%dma_wait3A_130 : memref<4x8192xf32, #tpu.memory_space<hbm>>) dst(%dma_wait3A_128 : memref<4x8192xf32, #tpu.memory_space<vmem>>)
      %parallel_loop3A_131 = arith.constant 0 : i32
      %parallel_loop3A_132 = arith.constant 256 : i32
      %parallel_loop3A_133 = arith.constant 1 : i32
      scf.for %parallel_loop3A_148 = %parallel_loop3A_131 to %parallel_loop3A_132 step %parallel_loop3A_133  : i32 {
        %parallel_loop3A_149 = arith.constant 16 : i32
        %parallel_loop3A_150 = arith.muli %parallel_loop3A_148, %parallel_loop3A_149 : i32
        %parallel_loop3A_151 = arith.index_cast %parallel_loop3A_150 : i32 to index
        %parallel_loop3A_152 = tpu.vector_load %arg7[%parallel_loop3A_151] {strides = array<i32>} : memref<4096xi32, #tpu.memory_space<vmem>>, vector<16xi32>,
        %parallel_loop3A_153 = tpu.vector_load_idx %arg8[%add3A_82, %parallel_loop3A_152] : memref<8x8192xf32, #tpu.memory_space<vmem>>[vector<16xi32>, vector<16xi32>], vector<16xf32>,
        %parallel_loop3A_154 = arith.constant 16 : i32
        %parallel_loop3A_155 = arith.muli %parallel_loop3A_148, %parallel_loop3A_154 : i32
        %parallel_loop3A_156 = arith.constant 4 : i32
        %parallel_loop3A_157 = arith.index_cast %parallel_loop3A_156 : i32 to index
        %parallel_loop3A_158 = arith.index_cast %parallel_loop3A_155 : i32 to index
        %parallel_loop3A_159 = tpu.vector_load %arg9[%parallel_loop3A_157, %parallel_loop3A_158] {strides = array<i32>} : memref<8x4096xf32, #tpu.memory_space<vmem>>, vector<16xf32>,
        tpu.vector_store %arg9[%parallel_loop3A_157, %parallel_loop3A_158], %parallel_loop3A_153 {strides = array<i32>} : memref<8x4096xf32, #tpu.memory_space<vmem>>, vector<16xf32>,
        %parallel_loop3A_160 = tpu.vector_load_idx %arg8[%add3A_85, %parallel_loop3A_152] : memref<8x8192xf32, #tpu.memory_space<vmem>>[vector<16xi32>, vector<16xi32>], vector<16xf32>,
        %parallel_loop3A_161 = arith.constant 16 : i32
        %parallel_loop3A_162 = arith.muli %parallel_loop3A_148, %parallel_loop3A_161 : i32
        %parallel_loop3A_163 = arith.constant 5 : i32
        %parallel_loop3A_164 = arith.index_cast %parallel_loop3A_163 : i32 to index
        %parallel_loop3A_165 = arith.index_cast %parallel_loop3A_162 : i32 to index
        %parallel_loop3A_166 = tpu.vector_load %arg9[%parallel_loop3A_164, %parallel_loop3A_165] {strides = array<i32>} : memref<8x4096xf32, #tpu.memory_space<vmem>>, vector<16xf32>,
        tpu.vector_store %arg9[%parallel_loop3A_164, %parallel_loop3A_165], %parallel_loop3A_160 {strides = array<i32>} : memref<8x4096xf32, #tpu.memory_space<vmem>>, vector<16xf32>,
        %parallel_loop3A_167 = tpu.vector_load_idx %arg8[%add3A_88, %parallel_loop3A_152] : memref<8x8192xf32, #tpu.memory_space<vmem>>[vector<16xi32>, vector<16xi32>], vector<16xf32>,
        %parallel_loop3A_168 = arith.constant 16 : i32
        %parallel_loop3A_169 = arith.muli %parallel_loop3A_148, %parallel_loop3A_168 : i32
        %parallel_loop3A_170 = arith.constant 6 : i32
        %parallel_loop3A_171 = arith.index_cast %parallel_loop3A_170 : i32 to index
        %parallel_loop3A_172 = arith.index_cast %parallel_loop3A_169 : i32 to index
        %parallel_loop3A_173 = tpu.vector_load %arg9[%parallel_loop3A_171, %parallel_loop3A_172] {strides = array<i32>} : memref<8x4096xf32, #tpu.memory_space<vmem>>, vector<16xf32>,
        tpu.vector_store %arg9[%parallel_loop3A_171, %parallel_loop3A_172], %parallel_loop3A_167 {strides = array<i32>} : memref<8x4096xf32, #tpu.memory_space<vmem>>, vector<16xf32>,
        %parallel_loop3A_174 = tpu.vector_load_idx %arg8[%add3A_91, %parallel_loop3A_152] : memref<8x8192xf32, #tpu.memory_space<vmem>>[vector<16xi32>, vector<16xi32>], vector<16xf32>,
        %parallel_loop3A_175 = arith.constant 16 : i32
        %parallel_loop3A_176 = arith.muli %parallel_loop3A_148, %parallel_loop3A_175 : i32
        %parallel_loop3A_177 = arith.constant 7 : i32
        %parallel_loop3A_178 = arith.index_cast %parallel_loop3A_177 : i32 to index
        %parallel_loop3A_179 = arith.index_cast %parallel_loop3A_176 : i32 to index
        %parallel_loop3A_180 = tpu.vector_load %arg9[%parallel_loop3A_178, %parallel_loop3A_179] {strides = array<i32>} : memref<8x4096xf32, #tpu.memory_space<vmem>>, vector<16xf32>,
        tpu.vector_store %arg9[%parallel_loop3A_178, %parallel_loop3A_179], %parallel_loop3A_174 {strides = array<i32>} : memref<8x4096xf32, #tpu.memory_space<vmem>>, vector<16xf32>,
      } {sc.loop_unroll_factor = 4 : i64, sc.parallel_access}
      %add3A_134 = arith.constant 4 : i32
      %add3A_135 = arith.addi %mul3A_29, %add3A_134 : i32
      "tpu.region"() ({
        %run_scoped3A = tpu.sem_alloc : memref<!tpu.dma_semaphore, #tpu.memory_space<semaphore_mem>>
        %dma_start3A_148 = arith.constant 4 : i32
        %dma_start3A_149 = arith.constant 0 : i32
        %dma_start3A_150 = tpu.memref_slice %arg9[%dma_start3A_148, %dma_start3A_149] : memref<8x4096xf32, #tpu.memory_space<vmem>> -> memref<4x4096xf32, #tpu.memory_space<vmem>>
        %dma_start3A_151 = arith.constant 0 : i32
        %dma_start3A_152 = tpu.memref_slice %arg6[%select_n3A_28, %add3A_135, %dma_start3A_151] : memref<2x64x4096xf32, #tpu.memory_space<hbm>> -> memref<1x4x4096xf32, #tpu.memory_space<hbm>>
        %dma_start3A_153 = tpu.memref_squeeze %dma_start3A_152 : memref<1x4x4096xf32, #tpu.memory_space<hbm>> -> memref<4x4096xf32, #tpu.memory_space<hbm>>
        %dma_start3A_154 = arith.constant 0 : i32
        %dma_start3A_155 = tpu.memref_slice %arg6[%select_n3A_28, %add3A_135, %dma_start3A_154] : memref<2x64x4096xf32, #tpu.memory_space<hbm>> -> memref<1x4x4096xf32, #tpu.memory_space<hbm>>
        %dma_start3A_156 = tpu.memref_squeeze %dma_start3A_155 : memref<1x4x4096xf32, #tpu.memory_space<hbm>> -> memref<4x4096xf32, #tpu.memory_space<hbm>>
        %dma_start3A_157 = arith.constant 4 : i32
        %dma_start3A_158 = arith.constant 0 : i32
        %dma_start3A_159 = tpu.memref_slice %arg9[%dma_start3A_157, %dma_start3A_158] : memref<8x4096xf32, #tpu.memory_space<vmem>> -> memref<4x4096xf32, #tpu.memory_space<vmem>>
        tpu.enqueue_dma source(%dma_start3A_159 : memref<4x4096xf32, #tpu.memory_space<vmem>>) target(%dma_start3A_156 : memref<4x4096xf32, #tpu.memory_space<hbm>>) target_semaphore(%run_scoped3A : memref<!tpu.dma_semaphore, #tpu.memory_space<semaphore_mem>>)
        %dma_wait3A_160 = arith.constant 4 : i32
        %dma_wait3A_161 = arith.constant 0 : i32
        %dma_wait3A_162 = tpu.memref_slice %arg9[%dma_wait3A_160, %dma_wait3A_161] : memref<8x4096xf32, #tpu.memory_space<vmem>> -> memref<4x4096xf32, #tpu.memory_space<vmem>>
        %dma_wait3A_163 = arith.constant 0 : i32
        %dma_wait3A_164 = tpu.memref_slice %arg6[%select_n3A_28, %add3A_135, %dma_wait3A_163] : memref<2x64x4096xf32, #tpu.memory_space<hbm>> -> memref<1x4x4096xf32, #tpu.memory_space<hbm>>
        %dma_wait3A_165 = tpu.memref_squeeze %dma_wait3A_164 : memref<1x4x4096xf32, #tpu.memory_space<hbm>> -> memref<4x4096xf32, #tpu.memory_space<hbm>>
        %dma_wait3A_166 = arith.constant 0 : i32
        %dma_wait3A_167 = tpu.memref_slice %arg6[%select_n3A_28, %add3A_135, %dma_wait3A_166] : memref<2x64x4096xf32, #tpu.memory_space<hbm>> -> memref<1x4x4096xf32, #tpu.memory_space<hbm>>
        %dma_wait3A_168 = tpu.memref_squeeze %dma_wait3A_167 : memref<1x4x4096xf32, #tpu.memory_space<hbm>> -> memref<4x4096xf32, #tpu.memory_space<hbm>>
        %dma_wait3A_169 = arith.constant 4 : i32
        %dma_wait3A_170 = arith.constant 0 : i32
        %dma_wait3A_171 = tpu.memref_slice %arg9[%dma_wait3A_169, %dma_wait3A_170] : memref<8x4096xf32, #tpu.memory_space<vmem>> -> memref<4x4096xf32, #tpu.memory_space<vmem>>
        tpu.wait_dma2 semaphore(%run_scoped3A : memref<!tpu.dma_semaphore, #tpu.memory_space<semaphore_mem>>) src(%dma_wait3A_171 : memref<4x4096xf32, #tpu.memory_space<vmem>>) dst(%dma_wait3A_168 : memref<4x4096xf32, #tpu.memory_space<hbm>>)
        tpu.yield
      }) : () -> ()
      %dma_wait3A_136 = arith.constant 0 : i32
      %dma_wait3A_137 = arith.constant 0 : i32
      %dma_wait3A_138 = tpu.memref_slice %arg9[%dma_wait3A_136, %dma_wait3A_137] : memref<8x4096xf32, #tpu.memory_space<vmem>> -> memref<4x4096xf32, #tpu.memory_space<vmem>>
      %dma_wait3A_139 = arith.constant 0 : i32
      %dma_wait3A_140 = tpu.memref_slice %arg6[%select_n3A_28, %mul3A_29, %dma_wait3A_139] : memref<2x64x4096xf32, #tpu.memory_space<hbm>> -> memref<1x4x4096xf32, #tpu.memory_space<hbm>>
      %dma_wait3A_141 = tpu.memref_squeeze %dma_wait3A_140 : memref<1x4x4096xf32, #tpu.memory_space<hbm>> -> memref<4x4096xf32, #tpu.memory_space<hbm>>
      %dma_wait3A_142 = arith.constant 0 : i32
      %dma_wait3A_143 = tpu.memref_slice %arg6[%select_n3A_28, %mul3A_29, %dma_wait3A_142] : memref<2x64x4096xf32, #tpu.memory_space<hbm>> -> memref<1x4x4096xf32, #tpu.memory_space<hbm>>
      %dma_wait3A_144 = tpu.memref_squeeze %dma_wait3A_143 : memref<1x4x4096xf32, #tpu.memory_space<hbm>> -> memref<4x4096xf32, #tpu.memory_space<hbm>>
      %dma_wait3A_145 = arith.constant 0 : i32
      %dma_wait3A_146 = arith.constant 0 : i32
      %dma_wait3A_147 = tpu.memref_slice %arg9[%dma_wait3A_145, %dma_wait3A_146] : memref<8x4096xf32, #tpu.memory_space<vmem>> -> memref<4x4096xf32, #tpu.memory_space<vmem>>
      tpu.wait_dma2 semaphore(%arg13 : memref<!tpu.dma_semaphore, #tpu.memory_space<semaphore_mem>>) src(%dma_wait3A_147 : memref<4x4096xf32, #tpu.memory_space<vmem>>) dst(%dma_wait3A_144 : memref<4x4096xf32, #tpu.memory_space<hbm>>)
    } else {
    }
    return
  }
}

</mosaic_0001>

<sc_bundles>
// kernel: kernel.3.cloned.1.call-start
scs
__scs_entry_jumppad:
0x0: {  	(pc) =	sbr.rel $0x88, $3  }
0x1: {  	(tag) =	ssettag $0x0;
	lr =	simm.s32 $0x1  }
0x2: {  	[smem:$0x3F9E] =	sst lr;
	_ =	strace $0xD0000000  }
0x3: {  	_ = 	snop  }
0x4: {  	_ = 	snop  }
0x5: {  	_ = 	snop  }
0x6: {  	_ = 	snop  }
0x7: {  	_ = 	snop  }
__scs_overlays_trampoline_lowered:
0x8: {  	[smem:$0x3FAD] =	sst s0  }
0x9: {  	[smem:$0x3FAE] =	sst s1  }
0xa: {  	[smem:$0x3FAF] =	sst s2  }
0xb: {  	[smem:$0x3FB0] =	sst s3  }
0xc: {  	[smem:$0x3FB1] =	sst s4  }
0xd: {  	[smem:$0x3FB2] =	sst s5  }
0xe: {  	[smem:$0x3FB3] =	sst s6  }
0xf: {  	[smem:$0x3FB4] =	sst s7  }
0x10: {  	[smem:$0x3FB5] =	sst s8  }
0x11: {  	[smem:$0x3FB6] =	sst s9;
	s0 =	simm.s32 @!p0 $0x0  }
0x12: {  	s1 =	sld [smem:$0x3F9C];
	s0 =	simm.s32 @p0 $0x1  }
0x13: {  	[smem:$0x3FB7] =	sst s0;
	s0 =	simm.s32 @!p1 $0x0  }
0x14: {  	s2 =	sld [smem:$0x3F9B];
	s0 =	simm.s32 @p1 $0x1  }
0x15: {  	[smem:$0x3FB8] =	sst s0;
	s0 =	simm.s32 @!p2 $0x0  }
0x16: {  	s3 =	sld [smem:$0x3FDB];
	s0 =	simm.s32 @p2 $0x1  }
0x17: {  	s4 =	simm.s32 $0x1BF5;
	[smem:$0x3FBA] =	sst s0  }
0x18: {  	s0 =	sld [smem:$0x3F9D];
	_ =	swait.ge [sflag:s4], $0x0  }
0x19: {  	s7 =	sld [smem:$0x3F9E]  }
0x1a: {  	s8 =	sadd.s32 $0xFFFFE003, lr  }
0x1b: {  	s9 =	sadd.s32 $0xFFFFFEF7, lr;
	s5 =	simm.s32 $0xFFFFFFFF;
	p2 =	slt.u32 s8, $0xFFFFF086  }
0x1c: {  	p1 =	slt.u32 s9, $0xF7A;
	s5 =	simm.s32 @!p2 $0x0  }
0x1d: {  	s5 =	simm.s32 @p1 $0x1;
	p0 =	seq.s32 s7, s2  }
0x1e: {  	s7 =	smul.u32 @!p0 $0xF7A, s2;
	p2 =	seq.s32 @!p0 s5, $0x0  }
0x1f: {  	s9 =	smul.u32 $0xF7A, s1;
	s8 =	simm.s32 @!p0 $0x1BF5;
	p2 =	por !p2, p0  }
0x20: {  	[sflag:s8] =	ssyncset.s32 @!p0 $0xFFFFF086;
	s6 =	sadd.s32 @!p0 s3, s7;
	s7 =	simm.s32 @!p0 $0x108  }
0x21: {  	s3 =	sadd.s32 s3, s9;
	s6 =	sadd.s32 @!p0 $0x88, s6;
	s7 =	simm.s32 @p2 $0x1082  }
0x22: {  	[simem:s7], [sflag:s8] =	dma.local @!p0 [hbm:s6], $0xF7A  }
0x23: {  	s9 =	sor.u32 $0xD0000000, s2;
	s6 =	simm.s32 $0x108;
	_ =	swait.ge @!p0 [sflag:s8], $0x0  }
0x24: {  	s3 =	sadd.s32 $0x88, s3;
	s6 =	simm.s32 @!p1 $0x1082;
	[sflag:s4] =	ssyncset.s32 $0xFFFFF086  }
0x25: {  	[simem:s6], [sflag:s4] =	dma.local [hbm:s3], $0xF7A  }
0x26: {  	[smem:$0x3F9E] =	sst s1;
	(tag) =	ssettag s2;
	_ =	strace s9  }
0x27: {  	s1 =	sld [smem:$0x3FAE]  }
0x28: {  	s2 =	sld [smem:$0x3FAF]  }
0x29: {  	s4 =	sld [smem:$0x3FB1]  }
0x2a: {  	p0 =	seq.s32 s5, $0x0;
	s5 =	sld [smem:$0x3FB2]  }
0x2b: {  	s6 =	sld [smem:$0x3FB3]  }
0x2c: {  	s7 =	sld [smem:$0x3FB4]  }
0x2d: {  	s3 =	simm.s32 $0x108;
	s8 =	sld [smem:$0x3FB5]  }
0x2e: {  	s3 =	simm.s32 @!p0 $0x1082;
	s9 =	sld [smem:$0x3FB6]  }
0x2f: {  	lr =	sadd.s32 s0, s3;
	s0 =	sld [smem:$0x3FAD]  }
0x30: {  	s3 =	sld [smem:$0x3FB0]  }
0x31: {  	[smem:$0x3FB9] =	sst s10  }
0x32: {  	s10 =	sld [smem:$0x3FB7];
	_ =	sdelay $0x3  }
0x33: {  	p0 =	seq.s32 s10, $0x1;
	s10 =	sld [smem:$0x3FB9];
	_ =	sdelay $0x3  }
0x34: {  	[smem:$0x3FB9] =	sst s10  }
0x35: {  	s10 =	sld [smem:$0x3FB8];
	_ =	sdelay $0x3  }
0x36: {  	p1 =	seq.s32 s10, $0x1;
	s10 =	sld [smem:$0x3FB9];
	_ =	sdelay $0x3  }
0x37: {  	[smem:$0x3FB9] =	sst s10  }
0x38: {  	s10 =	sld [smem:$0x3FBA]  }
0x39: {  	_ = 	snop;
	(pc) =	sbr.ind lr, $3  }
0x3a: {  	_ = 	snop  }
0x3b: {  	_ = 	snop  }
0x3c: {  	p2 =	seq.s32 s10, $0x1;
	s10 =	sld [smem:$0x3FB9]  }
0x3d: {  	_ =	shalt  }
0x3e: {  	_ =	shalt  }
0x3f: {  	_ =	shalt  }
0x40: {  	_ =	shalt  }
0x41: {  	_ =	shalt  }
0x42: {  	_ =	shalt  }
0x43: {  	_ =	shalt  }
0x44: {  	_ =	shalt  }
0x45: {  	_ =	shalt  }
0x46: {  	_ =	shalt  }
0x47: {  	_ =	shalt  }
0x48: {  	_ =	shalt  }
0x49: {  	_ =	shalt  }
0x4a: {  	_ =	shalt  }
0x4b: {  	_ =	shalt  }
0x4c: {  	_ =	shalt  }
0x4d: {  	_ =	shalt  }
0x4e: {  	_ =	shalt  }
0x4f: {  	_ =	shalt  }
0x50: {  	_ =	shalt  }
0x51: {  	_ =	shalt  }
0x52: {  	_ =	shalt  }
0x53: {  	_ =	shalt  }
0x54: {  	_ =	shalt  }
0x55: {  	_ =	shalt  }
0x56: {  	_ =	shalt  }
0x57: {  	_ =	shalt  }
0x58: {  	_ =	shalt  }
0x59: {  	_ =	shalt  }
0x5a: {  	_ =	shalt  }
0x5b: {  	_ =	shalt  }
0x5c: {  	_ =	shalt  }
0x5d: {  	_ =	shalt  }
0x5e: {  	_ =	shalt  }
0x5f: {  	_ =	shalt  }
0x60: {  	_ =	shalt  }
0x61: {  	_ =	shalt  }
0x62: {  	_ =	shalt  }
0x63: {  	_ =	shalt  }
0x64: {  	_ =	shalt  }
0x65: {  	_ =	shalt  }
0x66: {  	_ =	shalt  }
0x67: {  	_ =	shalt  }
0x68: {  	_ =	shalt  }
0x69: {  	_ =	shalt  }
0x6a: {  	_ =	shalt  }
0x6b: {  	_ =	shalt  }
0x6c: {  	_ =	shalt  }
0x6d: {  	_ =	shalt  }
0x6e: {  	_ =	shalt  }
0x6f: {  	_ =	shalt  }
0x70: {  	_ =	shalt  }
0x71: {  	_ =	shalt  }
0x72: {  	_ =	shalt  }
0x73: {  	_ =	shalt  }
0x74: {  	_ =	shalt  }
0x75: {  	_ =	shalt  }
0x76: {  	_ =	shalt  }
0x77: {  	_ =	shalt  }
0x78: {  	_ =	shalt  }
0x79: {  	_ =	shalt  }
0x7a: {  	_ =	shalt  }
0x7b: {  	_ =	shalt  }
0x7c: {  	_ =	shalt  }
0x7d: {  	_ =	shalt  }
0x7e: {  	_ =	shalt  }
0x7f: {  	_ =	shalt  }
0x80: {  	_ =	shalt  }
0x81: {  	_ =	shalt  }
0x82: {  	_ =	shalt  }
0x83: {  	_ =	shalt  }
0x84: {  	_ =	shalt  }
0x85: {  	_ =	shalt  }
0x86: {  	_ =	shalt  }
0x87: {  	_ =	shalt  }
.Lfunc_end0:
.L_simem_size_0:
called_computation_lowered:
.L_overlay_start_0:
0x88: {  	s2 =	sld [smem:$0x3FD9]  }
0x89: {  	s3 =	sld [smem:$0x3FFE];
	_ =	sdelay $0x1  }
0x8a: {  	s1 =	srdreg.scid  }
0x8b: {  	s0 =	sand.u32 $0x1, s1  }
0x8c: {  	s15 =	sshll.u32 s0, $0xA;
	s2 =	sadd.s32 s3, s2  }
0x8d: {  	s2 =	sadd.s32 s2, s15  }
0x8e: {  	[smem:$0x3FC5] =	sst s2  }
0x8f: {  	_ = 	snop  }
0x90: {  	s2 =	sld [smem:$0x3FD0]  }
0x91: {  	s16 =	sld [smem:$0x3FC9]  }
0x92: {  	s4 =	sld [smem:$0x3FC8]  }
0x93: {  	s6 =	simm.s32 $0xA;
	s7 =	simm.s32 $0x10;
	s5 =	sld [smem:$0x3FC7]  }
0x94: {  	[smem:s7], [sflag:s6] =	dma.local [hbm:s2], $0x1  }
0x95: {  	_ =	swait.eq [sflag:s6], $0x1  }
0x96: {  	[sflag:s6] =	ssyncset.done $0x0  }
0x97: {  	s17 =	sld [smem:$0x10];
	[sflag:s6] =	ssyncadd.s32 $0xFFFFFFFF  }
0x98: {  	s18 =	sld [smem:$0x11];
	(tm) =	ssettm $0x1  }
0x99: {  	s19 =	sld [smem:$0x3FFB];
	_ =	sdelay $0x3  }
0x9a: {  	_ =	strace s19  }
0x9b: {  	s7 =	sld [smem:$0x3FFC];
	_ =	sdelay $0x3  }
0x9c: {  	_ =	strace s7  }
0x9d: {  	s7 =	sld [smem:$0x3FFD];
	_ =	sdelay $0x3  }
0x9e: {  	_ =	strace s7  }
0x9f: {  	_ =	strace $0x8FFFFFFF  }
0xa0: {  	s20 =	sld [smem:$0x3FDB];
	_ =	sdelay $0x1  }
0xa1: {  	s8 =	simm.s32 $_scs_section_size  }
0xa2: {  	s9 =	simm.s32 $_size__tile_overlayer_lowered;
	s10 =	simm.s32 $_tile_overlayer_lowered  }
0xa3: {  	s23 =	simm.s32 $0x1BFF;
	s22 =	sshll.u32 s10, $0x1;
	s7 =	sadd.s32 s8, s20  }
0xa4: {  	s11 =	simm.s32 $0x0;
	s21 =	sshll.u32 s9, $0x1;
	s9 =	sadd.s32 s22, s7  }
0xa5: {  	[timem:s11], [sflag:s23] =	dma.local [hbm:s9], s21  }
0xa6: {  	_ =	swait.ge [sflag:s23], s21  }
0xa7: {  	s8 =	ssub.s32 $0x0, s21;
	[sflag:s23] =	ssyncset.done $0x0  }
0xa8: {  	[sflag:s23] =	ssyncadd.s32 s8;
	_ =	sdelay $0x1  }
0xa9: {  	s24 =	simm.s32 $0x1B8B  }
0xaa: {  	_ =	swait.ge [sflag:s24], $0x1  }
0xab: {  	[sflag:s24] =	ssyncset.done $0x0  }
0xac: {  	s25 =	simm.s32 $0x1B8E;
	[sflag:s24] =	ssyncadd.s32 $0xFFFFFFFF  }
0xad: {  	s26 =	simm.s32 $execute0_lowered;
	[smem:$0x3FD2] =	sst s25  }
0xae: {  	s8 =	sshll.u32 s26, $0x1;
	_ =	strace $0x80000046;
	[dreg:$0x1] =	wrdreg $0xFFFFFFFF  }
0xaf: {  	s28 =	simm.s32 $_size_execute0_lowered;
	s7 =	sadd.s32 s7, s8;
	[dreg:$0x0] =	wrdreg $0x0  }
0xb0: {  	s8 =	sshll.u32 s28, $0x1;
	[dreg:$0x2] =	wrdreg s7  }
0xb1: {  	[dreg:$0x3] =	wrdreg s8  }
0xb2: {  	[dreg:$0x4] =	wrdreg $0xC0  }
0xb3: {  	_ =	task [dreg:s11], $0x5FFFF  }
0xb4: {  	[dreg:$0x1] =	wrdreg $0xFFFFFFFF  }
0xb5: {  	[dreg:$0x0] =	wrdreg $0x60  }
0xb6: {  	[dreg:$0x2] =	wrdreg s16  }
0xb7: {  	[dreg:$0x3] =	wrdreg s4  }
0xb8: {  	[dreg:$0x4] =	wrdreg s5  }
0xb9: {  	[dreg:$0x5] =	wrdreg s17  }
0xba: {  	[dreg:$0x6] =	wrdreg s18  }
0xbb: {  	[dreg:$0x7] =	wrdreg $0x9  }
0xbc: {  	_ =	task.clear_ibuf [dreg:s11], $0x8FFFF;
	_ =	strace $0x90000046  }
0xbd: {  	s29 =	simm.s32 $0x9;
	_ =	strace $0x80000048  }
0xbe: {  	_ =	swait.ge [sflag:s29], $0x1  }
0xbf: {  	[sflag:s29] =	ssyncadd.s32 $0xFFFFFFFF  }
0xc0: {  	_ =	strace $0x90000048  }
0xc1: {  	_ =	sfence  }
0xc2: {  	s30 =	sld [smem:$0x0];
	_ =	sdelay $0x2  }
0xc3: {  	s31 =	sshll.u32 s1, $0xD;
	s1 =	sshrl.u32 s1, $0x2  }
0xc4: {  	s3 =	sand.u32 $0x4000, s31;
	s1 =	sadd.s32 s1, s30  }
0xc5: {  	s0 =	sor.u32 s3, s0;
	s1 =	sshll.u32 s1, $0x11  }
0xc6: {  	s0 =	sor.u32 s1, s0  }
0xc7: {  	s0 =	sadd.s32 $0x8F2B, s0  }
0xc8: {  	[sflag:s0] =	ssyncadd.remote.s32 $0x1  }
0xc9: {  	_ =	sfence.sel $0xFFFF  }
0xca: {  	[dreg:$0x0] =	wrdreg $0xFFFFFFFF;
	(pc) =	sbr.abs _section_cstart, $3  }
0xcb: {  	[dreg:$0x1] =	wrdreg $0xFFFFFFFF  }
0xcc: {  	_ =	task.clear_ibuf [dreg:s11], $0x2FFFF;
	_ =	strace $0x9FFFFFFF  }
0xcd: {  	(tm) =	ssettm $0x7FFFFFFF  }
tec
execute0_lowered:
.L_overlay_start_1:
0x0: {  	(tag) =	ssettag $0x1  }
0x1: {  	s0 =	rddreg [dreg:$0x0]  }
0x2: {  	s1 =	rddreg [dreg:$0x1]  }
0x3: {  	s4 =	rddreg [dreg:$0x2]  }
0x4: {  	s6 =	rddreg [dreg:$0x3]  }
0x5: {  	s9 =	rddreg [dreg:$0x4];
	s3 =	srdreg.scid;
	s2 =	simm.s32 $0x0  }
0x6: {  	s10 =	stileid.u32;
	s17 =	simm.s32 $0x1000;
	s21 =	simm.s32 $0x0  }
0x7: {  	s3 =	sand.u32 $0x1, s3;
	[smem:$0x7FF] =	sst s2;
	s8 =	sand.u32 $0x7, s10  }
0x8: {  	s28 =	sshrl.u32 s10, $0x3;
	s5 =	ssub.s32 $0x2, s3;
	_ =	strace $0x80000047  }
0x9: {  	s29 =	sshll.u32 s8, $0xC;
	p0 =	seq.s32 s3, $0x1;
	s8 =	sshll.u32 s8, $0xD  }
0xa: {  	s10 =	sshll.u32 s28, $0xF;
	s7 =	sshrl.u32 s5, $0x1;
	s3 =	sadd.s32 s1, s8  }
.Ltmp0:
0xb: {  	s30 =	sor.u32 s29, s10;
	s8 =	sadd.s32 s4, s8;
	(pc) =	sbr.rel .LBB2_1-.Ltmp0, $4  }
0xc: {  	s12 =	ssub.s32 s5, s7;
	s5 =	sshll.u32 s28, $0x4;
	s6 =	sadd.s32 s6, s30  }
0xd: {  	s9 =	sadd.s32 s9, s30;
	s10 =	sadd.s32 $0x40, s8;
	s0 =	sadd.s32 s0, s5  }
0xe: {  	s5 =	sadd.s32 $0x40, s3;
	s31 =	smax.u32 s12, $0x1;
	[dreg:$0x6] =	wrdreg s0  }
0xf: {  	s7 =	sadd.s32 $0x40, s6;
	s11 =	sadd.s32 $0x40, s9;
	[dreg:$0x7] =	wrdreg s31  }
.LBB2_27:
0x10: {  	[hbm4b:s12+s2] =	stream.linear.scatter [tilespmem:s0], [sflag:$0x5], $0x200, $0x38;
	[tilespmem:$0x19000] =	vst v63  }
.LBB2_28:
0x11: {  	s0 =	simm.s32 $0x5  }
0x12: {  	_ =	swait.ge [sflag:s0], $0x4000  }
0x13: {  	[sflag:s0] =	ssyncset.done $0x0  }
0x14: {  	s1 =	simm.s32 $0x4;
	[sflag:s0] =	ssyncadd.s32 $0xFFFFC000  }
0x15: {  	_ =	swait.ge [sflag:s1], $0x4000  }
0x16: {  	s21 =	sadd.s32 $0x1, s21;
	s31 =	rddreg [dreg:$0x7]  }
0x17: {  	p1 =	sne.s32 s21, s31  }
.Ltmp1:
0x18: {  	_ = 	snop;
	(pc) =	sbr.rel @!p1 .LBB2_29-.Ltmp1, $3  }
0x19: {  	_ =	sdelay $0x1  }
0x1a: {  	[sflag:s1] =	ssyncset.done $0x0  }
0x1b: {  	[sflag:s1] =	ssyncadd.s32 $0xFFFFC000  }
.LBB2_1:
.Ltmp2:
0x1c: {  	(pc) =	sbr.rel @!p0 .LBB2_2-.Ltmp2, $4  }
0x1d: {  	_ = 	snop  }
0x1e: {  	s0 =	rddreg [dreg:$0x6];
	s1 =	simm.s32 $0x80;
	s4 =	simm.s32 $0x100  }
0x1f: {  	[tilespmem:s2], [sflag:$0x3] =	stream.strided.gather [hbm4b:s0+s1], $0x1000, s4, s1, $0x38;
	[tilespmem:$0x19000] =	vst v63  }
0x20: {  	s0 =	simm.s32 $0x1000;
	s1 =	simm.s32 $0x80  }
0x21: {  	s12 =	sadd.s32 $0x0, s8;
	s4 =	simm.s32 $0x1400  }
.LBB2_16:
0x22: {  	[tilespmem:s0], [sflag:$0x1] =	stream.linear.gather [hbm4b:s12+s2], $0x200, $0x38;
	[tilespmem:$0x19000] =	vst v63  }
0x23: {  	s12 =	smov.u32 s1;
	s0 =	smov.u32 s4;
	p1 =	sne.s32 s1, $0x1F80  }
.Ltmp3:
0x24: {  	s1 =	sadd.s32 $0x80, s1;
	(pc) =	sbr.rel @p1 .LBB2_16-.Ltmp3, $2  }
0x25: {  	_ =	sdelay $0x2  }
0x26: {  	s4 =	sadd.s32 $0x400, s4;
	s12 =	sadd.s32 s12, s8  }
0x27: {  	[tilespmem:s0], [sflag:$0x1] =	stream.linear.gather [hbm4b:s12+s2], $0x200, $0x38;
	[tilespmem:$0x19000] =	vst v63  }
0x28: {  	s0 =	simm.s32 $0x1200  }
0x29: {  	s1 =	simm.s32 $0x80;
	s12 =	sadd.s32 $0x0, s10;
	s4 =	simm.s32 $0x1600  }
.LBB2_18:
0x2a: {  	[tilespmem:s0], [sflag:$0x2] =	stream.linear.gather [hbm4b:s12+s2], $0x200, $0x38;
	[tilespmem:$0x19000] =	vst v63  }
0x2b: {  	s12 =	smov.u32 s1;
	s0 =	smov.u32 s4;
	p1 =	sne.s32 s1, $0x1F80  }
.Ltmp4:
0x2c: {  	s1 =	sadd.s32 $0x80, s1;
	(pc) =	sbr.rel @p1 .LBB2_18-.Ltmp4, $2  }
0x2d: {  	_ =	sdelay $0x2  }
0x2e: {  	s4 =	sadd.s32 $0x400, s4;
	s12 =	sadd.s32 s12, s10  }
0x2f: {  	[tilespmem:s0], [sflag:$0x2] =	stream.linear.gather [hbm4b:s12+s2], $0x200, $0x38;
	[tilespmem:$0x19000] =	vst v63  }
0x30: {  	s14 =	simm.s32 $0x3  }
0x31: {  	_ =	swait.ge [sflag:s14], $0x1000  }
0x32: {  	[sflag:s14] =	ssyncset.done $0x0  }
0x33: {  	s15 =	simm.s32 $0x0;
	s18 =	simm.s32 $0x1;
	[sflag:s14] =	ssyncadd.s32 $0xFFFFF000  }
0x34: {  	s1 =	sand.u32 $0x40, s15;
	_ =	swait.ge [sflag:s18], $0x8000  }
0x35: {  	s4 =	sand.u32 $0xF80, s15;
	s13 =	sor.u32 $0x30, s1;
	[sflag:s18] =	ssyncset.done $0x0  }
0x36: {  	s19 =	sor.u32 s13, s4;
	[sflag:s18] =	ssyncadd.s32 $0xFFFF8000  }
0x37: {  	v0 =	vld [tilespmem:s19+$0x0];
	_ =	sdelay $0x1  }
0x38: {  	s16 =	sor.u32 $0x10, s1;
	v1 =	vld [tilespmem:s15+$0x0]  }
0x39: {  	s20 =	sor.u32 s16, s4;
	s18 =	sor.u32 $0x20, s1  }
0x3a: {  	s4 =	sor.u32 s18, s4;
	v2 =	vld [tilespmem:s20+$0x0]  }
0x3b: {  	v3 =	vld [tilespmem:s4+$0x0];
	v4 =	vshll.u32 v0, $0x3  }
0x3c: {  	v0 =	vand.u32 $0x7F, v0;
	v4 =	vand.u32 $0xFFFFFC00, v4  }
0x3d: {  	v5 =	vshll.u32 v1, $0x3;
	v4 =	vor.u32 v0, v4  }
0x3e: {  	v0 =	vand.u32 $0x7F, v1;
	v1 =	vand.u32 $0xFFFFFC00, v5  }
0x3f: {  	s22 =	simm.s32 $0x40;
	v5 =	vor.u32 v0, v1;
	v0 =	vshll.u32 v2, $0x3  }
0x40: {  	s12 =	sand.u32 $0x40, s22;
	v1 =	vshll.u32 v3, $0x3;
	v2 =	vand.u32 $0x7F, v2;
	v0 =	vand.u32 $0xFFFFFC00, v0  }
0x41: {  	s24 =	sor.u32 $0x30, s12;
	v6 =	vld [tilespmem:s22+$0x0];
	s4 =	sand.u32 $0xF80, s22;
	v1 =	vand.u32 $0xFFFFFC00, v1;
	v2 =	vor.u32 v2, v0;
	v0 =	vand.u32 $0x7F, v3  }
0x42: {  	s14 =	sor.u32 $0x10, s12;
	s25 =	sor.u32 s24, s4;
	v3 =	vor.u32 v0, v1;
	v0 =	vld.idx.msk [tilespmem:v4+s17+$0x0], $0xffff  }
0x43: {  	s0 =	sand.u32 $0x7C00, s15;
	s15 =	sor.u32 $0x20, s12;
	s20 =	sor.u32 s14, s4;
	v11 =	vld [tilespmem:s25+$0x0]  }
0x44: {  	s26 =	sor.u32 s15, s4;
	v13 =	vld [tilespmem:s20+$0x0];
	v1 =	vor.u32 $0x80, v4  }
0x45: {  	s19 =	sadd.s32 $0x11000, s0;
	v16 =	vld [tilespmem:s26+$0x0]  }
0x46: {  	s23 =	sor.u32 s13, s19;
	v8 =	vld.idx.msk [tilespmem:v2+s17+$0x0], $0xffff  }
0x47: {  	s25 =	simm.s32 $0x80;
	v9 =	vld.idx.msk [tilespmem:v3+s17+$0x0], $0xffff;
	[tilespmem:s23+$0x0] =	vst v0;
	v0 =	vor.u32 $0x80, v2  }
0x48: {  	s26 =	sand.u32 $0x40, s25;
	v10 =	vor.u32 $0x80, v3;
	v7 =	vld.idx.msk [tilespmem:v5+s17+$0x0], $0xffff  }
0x49: {  	s4 =	sor.u32 s18, s19;
	s18 =	sand.u32 $0xF80, s25;
	s31 =	sor.u32 $0x30, s26;
	v12 =	vor.u32 $0x80, v5;
	v1 =	vld.idx.msk [tilespmem:v1+s17+$0x0], $0xffff  }
0x4a: {  	s13 =	sor.u32 s16, s19;
	v15 =	vshll.u32 v6, $0x3;
	s20 =	sor.u32 s31, s18;
	v14 =	vor.u32 $0x100, v4  }
0x4b: {  	v6 =	vand.u32 $0x7F, v6;
	v21 =	vld [tilespmem:s20+$0x0];
	[tilespmem:s13+$0x0] =	vst v8;
	v8 =	vand.u32 $0xFFFFFC00, v15  }
0x4c: {  	s22 =	sor.u32 s1, s19;
	[tilespmem:s4+$0x0] =	vst v9;
	v15 =	vld.idx.msk [tilespmem:v0+s17+$0x0], $0xffff;
	v0 =	vor.u32 v6, v8  }
0x4d: {  	[tilespmem:s22+$0x0] =	vst v7;
	v9 =	vshll.u32 v11, $0x3;
	v11 =	vand.u32 $0x7F, v11;
	v6 =	vor.u32 $0x100, v2;
	v7 =	vld.idx.msk [tilespmem:v10+s17+$0x0], $0xffff  }
0x4e: {  	v8 =	vor.u32 $0x100, v3;
	v10 =	vld.idx.msk [tilespmem:v12+s17+$0x0], $0xffff;
	v9 =	vand.u32 $0xFFFFFC00, v9;
	[tilespmem:s23+$0x80] =	vst v1;
	v1 =	vshll.u32 v13, $0x3  }
0x4f: {  	v12 =	vld.idx.msk [tilespmem:v14+s17+$0x0], $0xffff;
	v14 =	vand.u32 $0xFFFFFC00, v1;
	v1 =	vor.u32 v11, v9  }
0x50: {  	v4 =	vor.u32 $0x180, v4;
	v13 =	vand.u32 $0x7F, v13;
	v9 =	vshll.u32 v16, $0x3;
	v11 =	vld [tilespmem:s25+$0x0]  }
0x51: {  	v9 =	vand.u32 $0xFFFFFC00, v9;
	v13 =	vor.u32 v13, v14;
	v14 =	vand.u32 $0x7F, v16;
	v17 =	vld.idx.msk [tilespmem:v0+s17+$0x0], $0xffff;
	[tilespmem:s13+$0x80] =	vst v15  }
0x52: {  	v14 =	vor.u32 v14, v9;
	[tilespmem:s4+$0x80] =	vst v7;
	v6 =	vld.idx.msk [tilespmem:v6+s17+$0x0], $0xffff  }
0x53: {  	v7 =	vor.u32 $0x100, v5;
	v8 =	vld.idx.msk [tilespmem:v8+s17+$0x0], $0xffff  }
0x54: {  	v9 =	vld.idx.msk [tilespmem:v1+s17+$0x0], $0xffff;
	[tilespmem:s23+$0x100] =	vst v12  }
0x55: {  	s29 =	simm.s32 $0x200;
	v2 =	vor.u32 $0x180, v2;
	v4 =	vld.idx.msk [tilespmem:v4+s17+$0x0], $0xffff  }
0x56: {  	s19 =	sand.u32 $0x7C00, s29;
	v3 =	vor.u32 $0x180, v3;
	v12 =	vld.idx.msk [tilespmem:v13+s17+$0x0], $0xffff  }
0x57: {  	s16 =	sadd.s32 $0x11000, s19;
	s0 =	sor.u32 $0x10, s26;
	v15 =	vor.u32 $0x80, v1;
	[tilespmem:s22+$0x80] =	vst v10;
	v16 =	vld.idx.msk [tilespmem:v14+s17+$0x0], $0xffff  }
0x58: {  	s28 =	sor.u32 s24, s16;
	s24 =	sor.u32 s0, s18;
	v7 =	vld.idx.msk [tilespmem:v7+s17+$0x0], $0xffff;
	[tilespmem:s13+$0x100] =	vst v6  }
0x59: {  	s30 =	sor.u32 s12, s16;
	v20 =	vor.u32 $0x80, v14;
	[tilespmem:s4+$0x100] =	vst v8;
	v8 =	vld [tilespmem:s24+$0x0]  }
0x5a: {  	[tilespmem:s30+$0x0] =	vst v17;
	v18 =	vld.idx.msk [tilespmem:v2+s17+$0x0], $0xffff;
	v2 =	vor.u32 $0x80, v13  }
0x5b: {  	s1 =	sor.u32 $0x20, s26;
	v22 =	vor.u32 $0x80, v0;
	[tilespmem:s28+$0x0] =	vst v9;
	v19 =	vld.idx.msk [tilespmem:v3+s17+$0x0], $0xffff  }
0x5c: {  	s19 =	sor.u32 s1, s18;
	v23 =	vor.u32 $0x180, v5;
	v15 =	vld.idx.msk [tilespmem:v15+s17+$0x0], $0xffff;
	[tilespmem:s23+$0x180] =	vst v4;
	s23 =	sor.u32 s15, s16  }
0x5d: {  	v17 =	vor.u32 $0x100, v1;
	s24 =	sor.u32 s14, s16;
	v9 =	vld [tilespmem:s19+$0x0];
	v4 =	vshll.u32 v11, $0x3;
	[tilespmem:s23+$0x0] =	vst v16  }
0x5e: {  	[tilespmem:s24+$0x0] =	vst v12;
	v12 =	vand.u32 $0x7F, v11;
	v4 =	vand.u32 $0xFFFFFC00, v4;
	v11 =	vld.idx.msk [tilespmem:v20+s17+$0x0], $0xffff  }
0x5f: {  	v5 =	vor.u32 $0x100, v14;
	v6 =	vor.u32 $0x100, v13;
	[tilespmem:s22+$0x100] =	vst v7;
	v4 =	vor.u32 v12, v4;
	v10 =	vld.idx.msk [tilespmem:v2+s17+$0x0], $0xffff  }
0x60: {  	v7 =	vshll.u32 v21, $0x3;
	v12 =	vld.idx.msk [tilespmem:v22+s17+$0x0], $0xffff;
	v2 =	vor.u32 $0x180, v14;
	v14 =	vshll.u32 v8, $0x3;
	[tilespmem:s13+$0x180] =	vst v18  }
0x61: {  	v63 =	vand.u32 $0x7F, v21;
	v7 =	vand.u32 $0xFFFFFC00, v7;
	[tilespmem:s28+$0x80] =	vst v15;
	v15 =	vand.u32 $0xFFFFFC00, v14;
	v14 =	vld.idx.msk [tilespmem:v23+s17+$0x0], $0xffff  }
0x62: {  	s14 =	simm.s32 $0xC0;
	v3 =	vor.u32 $0x180, v13;
	s13 =	simm.s32 $0x8;
	v16 =	vshll.u32 v9, $0x3;
	v7 =	vor.u32 v63, v7;
	[tilespmem:s4+$0x180] =	vst v19;
	v13 =	vld.idx.msk [tilespmem:v17+s17+$0x0], $0xffff  }
.LBB2_20:
0x63: {  	v17 =	vld [tilespmem:s14+$0x0];
	v8 =	vand.u32 $0x7F, v8;
	v16 =	vand.u32 $0xFFFFFC00, v16;
	v18 =	vor.u32 $0x180, v1;
	v1 =	vmovc v7  }
0x64: {  	v9 =	vand.u32 $0x7F, v9;
	v19 =	vld.idx.msk [tilespmem:v4+s17+$0x0], $0xffff;
	v8 =	vor.u32 v8, v15;
	v15 =	vor.u32 $0x100, v0;
	[tilespmem:s24+$0x80] =	vst v10  }
0x65: {  	v9 =	vor.u32 v9, v16;
	v10 =	vor.u32 $0x80, v8;
	v16 =	vld.idx.msk [tilespmem:v6+s17+$0x0], $0xffff;
	v6 =	vor.u32 $0x100, v8;
	[tilespmem:s23+$0x80] =	vst v11  }
0x66: {  	v11 =	vor.u32 $0x180, v8;
	v20 =	vor.u32 $0x80, v9;
	[tilespmem:s30+$0x80] =	vst v12;
	v12 =	vld.idx.msk [tilespmem:v5+s17+$0x0], $0xffff;
	v5 =	vor.u32 $0x100, v9  }
0x67: {  	v21 =	vor.u32 $0x180, v9;
	v7 =	vld.idx.msk [tilespmem:v7+s17+$0x0], $0xffff;
	[tilespmem:s28+$0x100] =	vst v13  }
0x68: {  	v13 =	vld.idx.msk [tilespmem:v18+s17+$0x0], $0xffff;
	[tilespmem:s22+$0x180] =	vst v14;
	s22 =	smov.u32 s30  }
0x69: {  	s29 =	sadd.s32 $0x200, s29;
	v14 =	vld.idx.msk [tilespmem:v8+s17+$0x0], $0xffff;
	v8 =	vor.u32 $0x80, v1  }
0x6a: {  	s4 =	sand.u32 $0x7C00, s29;
	v18 =	vld.idx.msk [tilespmem:v9+s17+$0x0], $0xffff  }
0x6b: {  	s25 =	sadd.s32 $0x40, s25;
	s4 =	sadd.s32 $0x11000, s4;
	v15 =	vld.idx.msk [tilespmem:v15+s17+$0x0], $0xffff;
	[tilespmem:s24+$0x100] =	vst v16  }
0x6c: {  	s13 =	sadd.s32 $0x4, s13;
	s12 =	sand.u32 $0x40, s25;
	s15 =	sor.u32 s31, s4;
	v16 =	vld.idx.msk [tilespmem:v3+s17+$0x0], $0xffff;
	[tilespmem:s23+$0x100] =	vst v12;
	v3 =	vmov v11  }
0x6d: {  	s16 =	sand.u32 $0xF80, s25;
	p1 =	slt.u32 s13, $0xFC;
	s31 =	sor.u32 $0x30, s12;
	[tilespmem:s15+$0x0] =	vst v7;
	v22 =	vld.idx.msk [tilespmem:v2+s17+$0x0], $0xffff;
	v2 =	vmov v21  }
0x6e: {  	s18 =	sor.u32 $0x10, s12;
	s19 =	sor.u32 $0x20, s12;
	s20 =	sor.u32 s31, s16;
	v7 =	vld.idx.msk [tilespmem:v8+s17+$0x0], $0xffff;
	[tilespmem:s28+$0x180] =	vst v13  }
0x6f: {  	s30 =	sor.u32 s26, s4;
	v12 =	vor.u32 $0x80, v4;
	s28 =	sor.u32 s18, s16;
	s16 =	sor.u32 s19, s16;
	v13 =	vld [tilespmem:s20+$0x0]  }
0x70: {  	s26 =	smov.u32 s12;
	s20 =	sor.u32 s0, s4;
	s4 =	sor.u32 s1, s4;
	v8 =	vld [tilespmem:s28+$0x0];
	[tilespmem:s30+$0x0] =	vst v19;
	v19 =	vor.u32 $0x100, v1  }
0x71: {  	v11 =	vshll.u32 v17, $0x3;
	s0 =	smov.u32 s18;
	s1 =	smov.u32 s19;
	s28 =	smov.u32 s15;
	v9 =	vld [tilespmem:s16+$0x0];
	[tilespmem:s20+$0x0] =	vst v14;
	v14 =	vor.u32 $0x180, v0;
	v0 =	vmov v4  }
.Ltmp5:
0x72: {  	v11 =	vand.u32 $0xFFFFFC00, v11;
	v4 =	vand.u32 $0x7F, v17;
	v10 =	vld.idx.msk [tilespmem:v10+s17+$0x0], $0xffff;
	[tilespmem:s4+$0x0] =	vst v18;
	(pc) =	sbr.rel @p1 .LBB2_20-.Ltmp5, $4  }
0x73: {  	v4 =	vor.u32 v4, v11;
	v11 =	vld.idx.msk [tilespmem:v20+s17+$0x0], $0xffff;
	[tilespmem:s22+$0x100] =	vst v15  }
0x74: {  	v15 =	vshll.u32 v13, $0x3;
	v12 =	vld.idx.msk [tilespmem:v12+s17+$0x0], $0xffff;
	[tilespmem:s28+$0x80] =	vst v7  }
0x75: {  	v17 =	vand.u32 $0x7F, v13;
	v7 =	vshll.u32 v8, $0x3;
	v18 =	vand.u32 $0xFFFFFC00, v15;
	v13 =	vld.idx.msk [tilespmem:v19+s17+$0x0], $0xffff;
	[tilespmem:s24+$0x180] =	vst v16;
	s24 =	smov.u32 s20  }
0x76: {  	s14 =	sadd.s32 $0x40, s14;
	v15 =	vand.u32 $0xFFFFFC00, v7;
	v16 =	vshll.u32 v9, $0x3;
	v7 =	vor.u32 v17, v18;
	v14 =	vld.idx.msk [tilespmem:v14+s17+$0x0], $0xffff;
	[tilespmem:s23+$0x180] =	vst v22;
	s23 =	smov.u32 s4  }
0x77: {  	_ = 	snop  }
0x78: {  	v8 =	vand.u32 $0x7F, v8  }
0x79: {  	v16 =	vand.u32 $0xFFFFFC00, v16;
	v9 =	vand.u32 $0x7F, v9;
	v8 =	vor.u32 v8, v15  }
0x7a: {  	v9 =	vor.u32 v9, v16  }
0x7b: {  	[tilespmem:s24+$0x80] =	vst v10;
	v42 =	vld.idx.msk [tilespmem:v7+s17+$0x0], $0xffff  }
0x7c: {  	v1 =	vor.u32 $0x180, v1;
	s4 =	sadd.s32 $0x200, s29;
	v46 =	vld.idx.msk [tilespmem:v4+s17+$0x0], $0xffff;
	[tilespmem:s23+$0x80] =	vst v11  }
0x7d: {  	v44 =	vor.u32 $0x80, v7;
	v6 =	vld.idx.msk [tilespmem:v6+s17+$0x0], $0xffff;
	s4 =	sand.u32 $0x7C00, s4;
	[tilespmem:s30+$0x80] =	vst v12  }
0x7e: {  	v47 =	vor.u32 $0x80, v4;
	s4 =	sadd.s32 $0x11000, s4;
	[tilespmem:s28+$0x100] =	vst v13;
	v43 =	vld.idx.msk [tilespmem:v8+s17+$0x0], $0xffff  }
0x7f: {  	v15 =	vor.u32 $0x80, v8;
	s12 =	sor.u32 s31, s4;
	[tilespmem:s22+$0x180] =	vst v14;
	v45 =	vld.idx.msk [tilespmem:v9+s17+$0x0], $0xffff  }
0x80: {  	v17 =	vor.u32 $0x80, v9;
	v5 =	vld.idx.msk [tilespmem:v5+s17+$0x0], $0xffff;
	s0 =	sor.u32 s0, s4;
	s1 =	sor.u32 s1, s4;
	s4 =	sor.u32 s26, s4;
	[tilespmem:s12+$0x0] =	vst v42  }
0x81: {  	v48 =	vor.u32 $0x100, v0;
	v1 =	vld.idx.msk [tilespmem:v1+s17+$0x0], $0xffff;
	[tilespmem:s4+$0x0] =	vst v46  }
0x82: {  	[tilespmem:s24+$0x100] =	vst v6;
	v10 =	vld.idx.msk [tilespmem:v44+s17+$0x0], $0xffff  }
0x83: {  	v49 =	vor.u32 $0x100, v7;
	v54 =	vld.idx.msk [tilespmem:v47+s17+$0x0], $0xffff;
	[tilespmem:s0+$0x0] =	vst v43  }
0x84: {  	v56 =	vor.u32 $0x100, v4;
	[tilespmem:s1+$0x0] =	vst v45;
	v50 =	vld.idx.msk [tilespmem:v15+s17+$0x0], $0xffff  }
0x85: {  	v51 =	vor.u32 $0x100, v8;
	[tilespmem:s23+$0x100] =	vst v5;
	v52 =	vld.idx.msk [tilespmem:v17+s17+$0x0], $0xffff  }
0x86: {  	v53 =	vor.u32 $0x100, v9;
	v55 =	vld.idx.msk [tilespmem:v48+s17+$0x0], $0xffff;
	[tilespmem:s28+$0x180] =	vst v1  }
0x87: {  	v3 =	vld.idx.msk [tilespmem:v3+s17+$0x0], $0xffff;
	[tilespmem:s12+$0x80] =	vst v10  }
0x88: {  	v57 =	vor.u32 $0x180, v0;
	[tilespmem:s4+$0x80] =	vst v54;
	v10 =	vld.idx.msk [tilespmem:v49+s17+$0x0], $0xffff  }
0x89: {  	v58 =	vor.u32 $0x180, v7;
	v1 =	vld.idx.msk [tilespmem:v56+s17+$0x0], $0xffff;
	[tilespmem:s0+$0x80] =	vst v50  }
0x8a: {  	v61 =	vor.u32 $0x180, v4;
	[tilespmem:s1+$0x80] =	vst v52;
	v59 =	vld.idx.msk [tilespmem:v51+s17+$0x0], $0xffff  }
0x8b: {  	v8 =	vor.u32 $0x180, v8;
	[tilespmem:s30+$0x100] =	vst v55;
	v60 =	vld.idx.msk [tilespmem:v53+s17+$0x0], $0xffff  }
0x8c: {  	v9 =	vor.u32 $0x180, v9;
	v2 =	vld.idx.msk [tilespmem:v2+s17+$0x0], $0xffff;
	[tilespmem:s24+$0x180] =	vst v3  }
0x8d: {  	v0 =	vld.idx.msk [tilespmem:v57+s17+$0x0], $0xffff;
	[tilespmem:s12+$0x100] =	vst v10  }
0x8e: {  	[tilespmem:s4+$0x100] =	vst v1;
	v62 =	vld.idx.msk [tilespmem:v58+s17+$0x0], $0xffff  }
0x8f: {  	v1 =	vld.idx.msk [tilespmem:v61+s17+$0x0], $0xffff;
	[tilespmem:s0+$0x100] =	vst v59  }
0x90: {  	[tilespmem:s1+$0x100] =	vst v60;
	v63 =	vld.idx.msk [tilespmem:v8+s17+$0x0], $0xffff  }
0x91: {  	[tilespmem:s23+$0x180] =	vst v2;
	v5 =	vld.idx.msk [tilespmem:v9+s17+$0x0], $0xffff  }
0x92: {  	[tilespmem:s30+$0x180] =	vst v0  }
0x93: {  	[tilespmem:s12+$0x180] =	vst v62  }
0x94: {  	[tilespmem:s4+$0x180] =	vst v1  }
0x95: {  	s12 =	sadd.s32 $0x0, s9;
	[tilespmem:s0+$0x180] =	vst v63  }
0x96: {  	s4 =	simm.s32 $0x11400;
	[tilespmem:s1+$0x180] =	vst v5;
	s0 =	simm.s32 $0x11000;
	s1 =	simm.s32 $0x80  }
.LBB2_22:
0x97: {  	[hbm4b:s12+s2] =	stream.linear.scatter [tilespmem:s0], [sflag:$0x4], $0x200, $0x38;
	[tilespmem:$0x19000] =	vst v63  }
0x98: {  	s12 =	smov.u32 s1;
	s0 =	smov.u32 s4;
	p1 =	sne.s32 s1, $0xF80  }
.Ltmp6:
0x99: {  	s1 =	sadd.s32 $0x80, s1;
	(pc) =	sbr.rel @p1 .LBB2_22-.Ltmp6, $2  }
0x9a: {  	_ =	sdelay $0x2  }
0x9b: {  	s4 =	sadd.s32 $0x400, s4;
	s12 =	sadd.s32 s12, s9  }
0x9c: {  	[hbm4b:s12+s2] =	stream.linear.scatter [tilespmem:s0], [sflag:$0x4], $0x200, $0x38;
	[tilespmem:$0x19000] =	vst v63  }
0x9d: {  	s23 =	simm.s32 $0x2  }
0x9e: {  	_ =	swait.ge [sflag:s23], $0x8000  }
0x9f: {  	s24 =	simm.s32 $0x0;
	[sflag:s23] =	ssyncset.done $0x0  }
0xa0: {  	s0 =	sand.u32 $0xFC0, s24;
	[sflag:s23] =	ssyncadd.s32 $0xFFFF8000  }
0xa1: {  	v1 =	vld [tilespmem:s0+$0x30];
	_ =	sdelay $0x1  }
0xa2: {  	v0 =	vld [tilespmem:s24+$0x0]  }
0xa3: {  	v2 =	vld [tilespmem:s0+$0x10];
	_ =	sdelay $0x1  }
0xa4: {  	v3 =	vld [tilespmem:s0+$0x20];
	v5 =	vshll.u32 v1, $0x3  }
0xa5: {  	v1 =	vand.u32 $0x7F, v1;
	v5 =	vand.u32 $0xFFFFFC00, v5  }
0xa6: {  	v4 =	vshll.u32 v0, $0x3;
	v0 =	vand.u32 $0x7F, v0;
	v5 =	vor.u32 v1, v5  }
0xa7: {  	v4 =	vand.u32 $0xFFFFFC00, v4;
	v1 =	vshll.u32 v2, $0x3;
	v6 =	vor.u32 $0x200, v5  }
0xa8: {  	v4 =	vor.u32 v0, v4;
	v2 =	vand.u32 $0x7F, v2;
	v1 =	vand.u32 $0xFFFFFC00, v1  }
0xa9: {  	v7 =	vshll.u32 v3, $0x3;
	v0 =	vor.u32 $0x200, v4;
	v2 =	vor.u32 v2, v1  }
0xaa: {  	s1 =	simm.s32 $0x40;
	v7 =	vand.u32 $0xFFFFFC00, v7;
	v1 =	vand.u32 $0x7F, v3;
	v3 =	vor.u32 $0x200, v2  }
0xab: {  	p1 =	por $0x0, $0x0;
	s0 =	simm.s32 $0x1;
	v8 =	vld [tilespmem:s1+$0x0];
	v7 =	vor.u32 v1, v7  }
0xac: {  	s13 =	sand.u32 $0xFC0, s1;
	s0 =	simm.s32 @!p1 $0x0;
	v1 =	vor.u32 $0x200, v7;
	v6 =	vld.idx.msk [tilespmem:v6+s17+$0x0], $0xffff  }
0xad: {  	v11 =	vld [tilespmem:s13+$0x30];
	s0 =	sshll.u32 s0, $0x6;
	v9 =	vor.u32 $0x280, v5  }
0xae: {  	s0 =	sadd.s32 $0x0, s0;
	v10 =	vld.idx.msk [tilespmem:v0+s17+$0x0], $0xffff  }
0xaf: {  	s12 =	sadd.s32 $0x30, s0;
	v12 =	vor.u32 $0x280, v4;
	v0 =	vld.idx.msk [tilespmem:v3+s17+$0x0], $0xffff  }
0xb0: {  	v14 =	vld [tilespmem:s13+$0x10];
	s25 =	sor.u32 $0x200, s12;
	v3 =	vor.u32 $0x280, v2  }
0xb1: {  	v1 =	vld.idx.msk [tilespmem:v1+s17+$0x0], $0xffff;
	[tilespmem:s25+$0x11000] =	vst v6  }
0xb2: {  	s4 =	sadd.s32 $0x10, s0;
	s15 =	sor.u32 $0x200, s0;
	v6 =	vor.u32 $0x280, v7;
	v9 =	vld.idx.msk [tilespmem:v9+s17+$0x0], $0xffff  }
0xb3: {  	v15 =	vld [tilespmem:s13+$0x20];
	v13 =	vshll.u32 v8, $0x3;
	s14 =	sor.u32 $0x200, s4;
	v16 =	vor.u32 $0x300, v5;
	[tilespmem:s15+$0x11000] =	vst v10  }
0xb4: {  	s22 =	simm.s32 $0x80;
	s1 =	sadd.s32 $0x20, s0;
	v8 =	vand.u32 $0x7F, v8;
	v13 =	vand.u32 $0xFFFFFC00, v13;
	v12 =	vld.idx.msk [tilespmem:v12+s17+$0x0], $0xffff;
	[tilespmem:s14+$0x11000] =	vst v0  }
0xb5: {  	s26 =	sor.u32 $0x200, s1;
	v18 =	vshll.u32 v14, $0x3;
	v10 =	vor.u32 $0x300, v4;
	s25 =	sand.u32 $0xFC0, s22;
	v0 =	vor.u32 v8, v13;
	v3 =	vld.idx.msk [tilespmem:v3+s17+$0x0], $0xffff  }
0xb6: {  	s16 =	sor.u32 $0x280, s12;
	v17 =	vor.u32 $0x300, v7;
	v20 =	vld [tilespmem:s25+$0x30];
	[tilespmem:s26+$0x11000] =	vst v1;
	v13 =	vor.u32 $0x200, v0;
	v1 =	vshll.u32 v11, $0x3  }
0xb7: {  	v8 =	vor.u32 $0x300, v2;
	v11 =	vand.u32 $0x7F, v11;
	v1 =	vand.u32 $0xFFFFFC00, v1;
	v6 =	vld.idx.msk [tilespmem:v6+s17+$0x0], $0xffff;
	[tilespmem:s16+$0x11000] =	vst v9  }
0xb8: {  	s20 =	sor.u32 $0x280, s0;
	v1 =	vor.u32 v11, v1;
	v9 =	vand.u32 $0xFFFFFC00, v18;
	v18 =	vshll.u32 v15, $0x3;
	v11 =	vld.idx.msk [tilespmem:v16+s17+$0x0], $0xffff  }
0xb9: {  	s18 =	sor.u32 $0x280, s4;
	v14 =	vand.u32 $0x7F, v14;
	v19 =	vor.u32 $0x200, v1;
	[tilespmem:s20+$0x11000] =	vst v12;
	v16 =	vld [tilespmem:s22+$0x0];
	v18 =	vand.u32 $0xFFFFFC00, v18  }
0xba: {  	v14 =	vor.u32 v14, v9;
	v9 =	vand.u32 $0x7F, v15;
	v10 =	vld.idx.msk [tilespmem:v10+s17+$0x0], $0xffff;
	[tilespmem:s18+$0x11000] =	vst v3;
	v3 =	vor.u32 $0x380, v5  }
0xbb: {  	s19 =	sor.u32 $0x280, s1;
	v13 =	vld.idx.msk [tilespmem:v13+s17+$0x0], $0xffff;
	v5 =	vor.u32 $0x200, v14;
	v15 =	vor.u32 v9, v18  }
0xbc: {  	v8 =	vld.idx.msk [tilespmem:v8+s17+$0x0], $0xffff;
	[tilespmem:s19+$0x11000] =	vst v6;
	v6 =	vor.u32 $0x200, v15  }
0xbd: {  	s13 =	simm.s32 $0x1;
	p1 =	por !p1, !p1;
	s23 =	sor.u32 $0x300, s12;
	v2 =	vor.u32 $0x380, v2;
	v9 =	vld.idx.msk [tilespmem:v17+s17+$0x0], $0xffff  }
0xbe: {  	s13 =	simm.s32 @!p1 $0x0;
	v7 =	vor.u32 $0x380, v7;
	v12 =	vld.idx.msk [tilespmem:v19+s17+$0x0], $0xffff;
	[tilespmem:s23+$0x11000] =	vst v11  }
0xbf: {  	s13 =	sshll.u32 s13, $0x6;
	s16 =	sor.u32 $0x300, s0;
	v11 =	vor.u32 $0x280, v1;
	v3 =	vld.idx.msk [tilespmem:v3+s17+$0x0], $0xffff  }
0xc0: {  	s13 =	sadd.s32 $0x200, s13;
	s24 =	sor.u32 $0x300, s4;
	[tilespmem:s16+$0x11000] =	vst v10;
	v5 =	vld.idx.msk [tilespmem:v5+s17+$0x0], $0xffff  }
0xc1: {  	s15 =	sor.u32 $0x300, s1;
	s23 =	sadd.s32 $0x30, s13;
	[tilespmem:s24+$0x11000] =	vst v8;
	v17 =	vld.idx.msk [tilespmem:v6+s17+$0x0], $0xffff  }
0xc2: {  	v10 =	vor.u32 $0x280, v0;
	s26 =	sor.u32 $0x200, s23;
	v8 =	vld.idx.msk [tilespmem:v2+s17+$0x0], $0xffff;
	[tilespmem:s15+$0x11000] =	vst v9  }
0xc3: {  	v2 =	vor.u32 $0x280, v14;
	[tilespmem:s26+$0x11000] =	vst v12;
	v18 =	vld.idx.msk [tilespmem:v7+s17+$0x0], $0xffff  }
0xc4: {  	v19 =	vor.u32 $0x280, v15;
	s24 =	sor.u32 $0x200, s13;
	v21 =	vld.idx.msk [tilespmem:v11+s17+$0x0], $0xffff  }
0xc5: {  	s28 =	simm.s32 $0x200;
	s12 =	sor.u32 $0x380, s12;
	v22 =	vor.u32 $0x380, v4;
	v4 =	vshll.u32 v16, $0x3;
	[tilespmem:s24+$0x11000] =	vst v13;
	s15 =	sadd.s32 $0x10, s13;
	v7 =	vld [tilespmem:s25+$0x10]  }
0xc6: {  	s29 =	simm.s32 $0x8;
	v23 =	vor.u32 $0x300, v1;
	s16 =	sadd.s32 $0x20, s13;
	v4 =	vand.u32 $0xFFFFFC00, v4;
	v9 =	vld [tilespmem:s25+$0x20];
	v12 =	vand.u32 $0x7F, v16;
	s18 =	sor.u32 $0x200, s15;
	[tilespmem:s12+$0x11000] =	vst v3  }
0xc7: {  	s14 =	sor.u32 $0x280, s13;
	s20 =	sor.u32 $0x380, s1;
	v6 =	vor.u32 $0x300, v14;
	v4 =	vor.u32 v12, v4;
	s12 =	sor.u32 $0x200, s16;
	[tilespmem:s18+$0x11000] =	vst v5;
	v3 =	vor.u32 $0x380, v14;
	v14 =	vld.idx.msk [tilespmem:v10+s17+$0x0], $0xffff  }
0xc8: {  	s1 =	sor.u32 $0x380, s13;
	s19 =	sor.u32 $0x380, s4;
	s4 =	sor.u32 $0x280, s16;
	v16 =	vand.u32 $0x7F, v20;
	v12 =	vor.u32 $0x200, v4;
	[tilespmem:s12+$0x11000] =	vst v17;
	v11 =	vld.idx.msk [tilespmem:v2+s17+$0x0], $0xffff  }
0xc9: {  	s30 =	sor.u32 $0x300, s16;
	s24 =	sor.u32 $0x380, s16;
	s25 =	sor.u32 $0x280, s23;
	v5 =	vor.u32 $0x300, v15;
	v2 =	vor.u32 $0x380, v15;
	[tilespmem:s19+$0x11000] =	vst v8;
	v15 =	vshll.u32 v20, $0x3;
	v13 =	vld.idx.msk [tilespmem:v19+s17+$0x0], $0xffff  }
0xca: {  	s26 =	sor.u32 $0x380, s0;
	s0 =	sor.u32 $0x300, s13;
	s13 =	simm.s32 $0xC0;
	v8 =	vor.u32 $0x300, v0;
	v19 =	vand.u32 $0xFFFFFC00, v15;
	v15 =	vld.idx.msk [tilespmem:v22+s17+$0x0], $0xffff;
	v10 =	vshll.u32 v7, $0x3;
	[tilespmem:s25+$0x11000] =	vst v21  }
0xcb: {  	s31 =	sor.u32 $0x300, s15;
	s12 =	sor.u32 $0x280, s15;
	s25 =	sor.u32 $0x380, s15;
	[tilespmem:s20+$0x11000] =	vst v18;
	v18 =	vshll.u32 v9, $0x3;
	v17 =	vand.u32 $0xFFFFFC00, v10;
	v10 =	vor.u32 v16, v19;
	v16 =	vld.idx.msk [tilespmem:v23+s17+$0x0], $0xffff  }
.LBB2_24:
0xcc: {  	v19 =	vld [tilespmem:s13+$0x0];
	v7 =	vand.u32 $0x7F, v7;
	v18 =	vand.u32 $0xFFFFFC00, v18;
	v20 =	vor.u32 $0x200, v10  }
0xcd: {  	v9 =	vand.u32 $0x7F, v9;
	v12 =	vld.idx.msk [tilespmem:v12+s17+$0x0], $0xffff;
	v7 =	vor.u32 v7, v17;
	[tilespmem:s12+$0x11000] =	vst v11;
	v11 =	vor.u32 $0x380, v1;
	v1 =	vmovc v10  }
0xce: {  	v9 =	vor.u32 v9, v18;
	v10 =	vor.u32 $0x200, v7;
	v17 =	vor.u32 $0x280, v7;
	v18 =	vld.idx.msk [tilespmem:v6+s17+$0x0], $0xffff;
	[tilespmem:s4+$0x11000] =	vst v13  }
0xcf: {  	v6 =	vor.u32 $0x300, v7;
	v13 =	vor.u32 $0x200, v9;
	v21 =	vor.u32 $0x280, v9;
	[tilespmem:s14+$0x11000] =	vst v14;
	v14 =	vld.idx.msk [tilespmem:v5+s17+$0x0], $0xffff  }
0xd0: {  	v7 =	vor.u32 $0x380, v7;
	s4 =	sor.u32 $0x300, s23;
	v5 =	vor.u32 $0x300, v9;
	v9 =	vor.u32 $0x380, v9;
	v8 =	vld.idx.msk [tilespmem:v8+s17+$0x0], $0xffff;
	[tilespmem:s26+$0x11000] =	vst v15;
	s26 =	smov.u32 s1  }
0xd1: {  	p1 =	por !p1, !p1;
	s1 =	simm.s32 $0x1;
	v15 =	vld.idx.msk [tilespmem:v20+s17+$0x0], $0xffff;
	[tilespmem:s4+$0x11000] =	vst v16  }
0xd2: {  	s1 =	simm.s32 @!p1 $0x0;
	v11 =	vld.idx.msk [tilespmem:v11+s17+$0x0], $0xffff  }
0xd3: {  	s28 =	sadd.s32 $0x200, s28;
	v16 =	vor.u32 $0x280, v1;
	s1 =	sshll.u32 s1, $0x6;
	v10 =	vld.idx.msk [tilespmem:v10+s17+$0x0], $0xffff  }
0xd4: {  	s22 =	sadd.s32 $0x40, s22;
	s1 =	sadd.s32 s1, s28;
	v13 =	vld.idx.msk [tilespmem:v13+s17+$0x0], $0xffff;
	[tilespmem:s31+$0x11000] =	vst v18  }
0xd5: {  	s29 =	sadd.s32 $0x4, s29;
	s15 =	sadd.s32 $0x10, s1;
	s16 =	sadd.s32 $0x30, s1;
	v18 =	vld.idx.msk [tilespmem:v3+s17+$0x0], $0xffff;
	[tilespmem:s30+$0x11000] =	vst v14;
	v3 =	vmov v7  }
0xd6: {  	s18 =	sand.u32 $0xFC0, s22;
	s19 =	sadd.s32 $0x20, s1;
	s4 =	sor.u32 $0x200, s16;
	[tilespmem:s0+$0x11000] =	vst v8;
	v20 =	vld.idx.msk [tilespmem:v2+s17+$0x0], $0xffff;
	v2 =	vmov v9  }
0xd7: {  	p2 =	slt.u32 s29, $0xFC;
	s0 =	sor.u32 $0x200, s15;
	v22 =	vld [tilespmem:s18+$0x30];
	[tilespmem:s4+$0x11000] =	vst v15;
	s4 =	sor.u32 $0x380, s23  }
0xd8: {  	s20 =	sor.u32 $0x200, s1;
	s14 =	sor.u32 $0x280, s1;
	v8 =	vor.u32 $0x280, v4;
	s23 =	sor.u32 $0x200, s19;
	v15 =	vld.idx.msk [tilespmem:v16+s17+$0x0], $0xffff;
	[tilespmem:s4+$0x11000] =	vst v11  }
0xd9: {  	s12 =	sor.u32 $0x280, s15;
	s31 =	sor.u32 $0x300, s15;
	v9 =	vshll.u32 v19, $0x3;
	s4 =	sor.u32 $0x280, s19;
	v7 =	vld [tilespmem:s18+$0x10];
	[tilespmem:s0+$0x11000] =	vst v10;
	v10 =	vor.u32 $0x380, v0;
	v0 =	vmov v4  }
0xda: {  	s30 =	sor.u32 $0x300, s19;
	s15 =	sor.u32 $0x380, s15;
	v11 =	vand.u32 $0xFFFFFC00, v9;
	v16 =	vor.u32 $0x300, v1;
	v4 =	vand.u32 $0x7F, v19;
	s0 =	sor.u32 $0x300, s1;
	v9 =	vld [tilespmem:s18+$0x20];
	[tilespmem:s23+$0x11000] =	vst v13  }
.Ltmp7:
0xdb: {  	s1 =	sor.u32 $0x380, s1;
	v4 =	vor.u32 v4, v11;
	s18 =	sor.u32 $0x380, s19;
	[tilespmem:s20+$0x11000] =	vst v12;
	v11 =	vld.idx.msk [tilespmem:v17+s17+$0x0], $0xffff;
	(pc) =	sbr.rel @p2 .LBB2_24-.Ltmp7, $4  }
0xdc: {  	s23 =	smov.u32 s16;
	v12 =	vor.u32 $0x200, v4;
	v13 =	vld.idx.msk [tilespmem:v21+s17+$0x0], $0xffff;
	[tilespmem:s25+$0x11000] =	vst v18;
	s25 =	smov.u32 s15  }
0xdd: {  	v17 =	vshll.u32 v22, $0x3;
	s15 =	sor.u32 $0x280, s23;
	v14 =	vld.idx.msk [tilespmem:v8+s17+$0x0], $0xffff;
	v8 =	vor.u32 $0x300, v0;
	[tilespmem:s24+$0x11000] =	vst v20;
	s24 =	smov.u32 s18  }
0xde: {  	v19 =	vand.u32 $0x7F, v22;
	v20 =	vand.u32 $0xFFFFFC00, v17;
	v18 =	vshll.u32 v7, $0x3;
	[tilespmem:s15+$0x11000] =	vst v15;
	v15 =	vld.idx.msk [tilespmem:v10+s17+$0x0], $0xffff  }
0xdf: {  	s13 =	sadd.s32 $0x40, s13;
	v10 =	vor.u32 v19, v20;
	v17 =	vand.u32 $0xFFFFFC00, v18;
	v18 =	vshll.u32 v9, $0x3;
	v16 =	vld.idx.msk [tilespmem:v16+s17+$0x0], $0xffff  }
0xe0: {  	v7 =	vand.u32 $0x7F, v7;
	v18 =	vand.u32 $0xFFFFFC00, v18  }
0xe1: {  	v19 =	vor.u32 $0x200, v10;
	v9 =	vand.u32 $0x7F, v9;
	v7 =	vor.u32 v7, v17  }
0xe2: {  	v9 =	vor.u32 v9, v18;
	v17 =	vor.u32 $0x200, v7  }
0xe3: {  	[tilespmem:s12+$0x11000] =	vst v11;
	v18 =	vor.u32 $0x200, v9  }
0xe4: {  	v6 =	vld.idx.msk [tilespmem:v6+s17+$0x0], $0xffff  }
0xe5: {  	p1 =	por !p1, !p1;
	s12 =	simm.s32 $0x1;
	v12 =	vld.idx.msk [tilespmem:v12+s17+$0x0], $0xffff;
	[tilespmem:s4+$0x11000] =	vst v13  }
0xe6: {  	v46 =	vor.u32 $0x280, v4;
	s12 =	simm.s32 @!p1 $0x0;
	[tilespmem:s14+$0x11000] =	vst v14;
	v40 =	vld.idx.msk [tilespmem:v19+s17+$0x0], $0xffff  }
0xe7: {  	v42 =	vor.u32 $0x280, v10;
	s22 =	sadd.s32 $0x200, s28;
	s13 =	sor.u32 $0x300, s23;
	s20 =	sshll.u32 s12, $0x6;
	[tilespmem:s26+$0x11000] =	vst v15;
	v41 =	vld.idx.msk [tilespmem:v17+s17+$0x0], $0xffff  }
0xe8: {  	v43 =	vor.u32 $0x280, v7;
	s4 =	sadd.s32 s20, s22;
	[tilespmem:s13+$0x11000] =	vst v16;
	v44 =	vld.idx.msk [tilespmem:v18+s17+$0x0], $0xffff  }
0xe9: {  	v45 =	vor.u32 $0x280, v9;
	v5 =	vld.idx.msk [tilespmem:v5+s17+$0x0], $0xffff;
	s12 =	sadd.s32 $0x30, s4;
	[tilespmem:s31+$0x11000] =	vst v6;
	s31 =	sor.u32 $0x200, s4  }
0xea: {  	v1 =	vor.u32 $0x380, v1;
	v8 =	vld.idx.msk [tilespmem:v8+s17+$0x0], $0xffff;
	s13 =	sadd.s32 $0x10, s4;
	s28 =	sor.u32 $0x200, s12;
	[tilespmem:s31+$0x11000] =	vst v12  }
0xeb: {  	s15 =	sadd.s32 $0x20, s4;
	s16 =	sor.u32 $0x200, s13;
	v52 =	vld.idx.msk [tilespmem:v46+s17+$0x0], $0xffff;
	[tilespmem:s28+$0x11000] =	vst v40  }
0xec: {  	v53 =	vor.u32 $0x300, v4;
	s29 =	sor.u32 $0x200, s15;
	v11 =	vld.idx.msk [tilespmem:v42+s17+$0x0], $0xffff;
	[tilespmem:s16+$0x11000] =	vst v41  }
0xed: {  	v47 =	vor.u32 $0x300, v10;
	[tilespmem:s29+$0x11000] =	vst v44;
	v48 =	vld.idx.msk [tilespmem:v43+s17+$0x0], $0xffff  }
0xee: {  	v49 =	vor.u32 $0x300, v7;
	[tilespmem:s30+$0x11000] =	vst v5;
	v50 =	vld.idx.msk [tilespmem:v45+s17+$0x0], $0xffff  }
0xef: {  	v51 =	vor.u32 $0x300, v9;
	s19 =	sor.u32 $0x280, s4;
	v1 =	vld.idx.msk [tilespmem:v1+s17+$0x0], $0xffff;
	[tilespmem:s0+$0x11000] =	vst v8  }
0xf0: {  	s14 =	sor.u32 $0x280, s12;
	v3 =	vld.idx.msk [tilespmem:v3+s17+$0x0], $0xffff;
	[tilespmem:s19+$0x11000] =	vst v52  }
0xf1: {  	v0 =	vor.u32 $0x380, v0;
	s16 =	sor.u32 $0x280, s13;
	v58 =	vld.idx.msk [tilespmem:v53+s17+$0x0], $0xffff;
	[tilespmem:s14+$0x11000] =	vst v11  }
0xf2: {  	v59 =	vor.u32 $0x380, v4;
	s18 =	sor.u32 $0x280, s15;
	v54 =	vld.idx.msk [tilespmem:v47+s17+$0x0], $0xffff;
	[tilespmem:s16+$0x11000] =	vst v48  }
0xf3: {  	v55 =	vor.u32 $0x380, v10;
	s20 =	sor.u32 $0x380, s23;
	[tilespmem:s18+$0x11000] =	vst v50;
	v56 =	vld.idx.msk [tilespmem:v49+s17+$0x0], $0xffff  }
0xf4: {  	v7 =	vor.u32 $0x380, v7;
	[tilespmem:s20+$0x11000] =	vst v1;
	v57 =	vld.idx.msk [tilespmem:v51+s17+$0x0], $0xffff  }
0xf5: {  	v9 =	vor.u32 $0x380, v9;
	s26 =	sor.u32 $0x300, s4;
	v2 =	vld.idx.msk [tilespmem:v2+s17+$0x0], $0xffff;
	[tilespmem:s25+$0x11000] =	vst v3  }
0xf6: {  	s22 =	sor.u32 $0x300, s12;
	v0 =	vld.idx.msk [tilespmem:v0+s17+$0x0], $0xffff;
	[tilespmem:s26+$0x11000] =	vst v58  }
0xf7: {  	s23 =	sor.u32 $0x300, s13;
	v63 =	vld.idx.msk [tilespmem:v59+s17+$0x0], $0xffff;
	[tilespmem:s22+$0x11000] =	vst v54  }
0xf8: {  	s25 =	sor.u32 $0x300, s15;
	v60 =	vld.idx.msk [tilespmem:v55+s17+$0x0], $0xffff;
	[tilespmem:s23+$0x11000] =	vst v56  }
0xf9: {  	[tilespmem:s25+$0x11000] =	vst v57;
	v61 =	vld.idx.msk [tilespmem:v7+s17+$0x0], $0xffff  }
0xfa: {  	[tilespmem:s24+$0x11000] =	vst v2;
	v62 =	vld.idx.msk [tilespmem:v9+s17+$0x0], $0xffff  }
0xfb: {  	s31 =	sor.u32 $0x380, s4;
	[tilespmem:s1+$0x11000] =	vst v0  }
0xfc: {  	s28 =	sor.u32 $0x380, s12;
	[tilespmem:s31+$0x11000] =	vst v63  }
0xfd: {  	s29 =	sor.u32 $0x380, s13;
	[tilespmem:s28+$0x11000] =	vst v60  }
0xfe: {  	s30 =	sor.u32 $0x380, s15;
	s4 =	simm.s32 $0x11600;
	[tilespmem:s29+$0x11000] =	vst v61  }
0xff: {  	s0 =	simm.s32 $0x11200;
	s12 =	sadd.s32 $0x0, s11;
	s1 =	simm.s32 $0x80;
	[tilespmem:s30+$0x11000] =	vst v62  }
.LBB2_26:
0x100: {  	[hbm4b:s12+s2] =	stream.linear.scatter [tilespmem:s0], [sflag:$0x5], $0x200, $0x38;
	[tilespmem:$0x19000] =	vst v63  }
0x101: {  	s12 =	smov.u32 s1;
	s0 =	smov.u32 s4;
	p1 =	sne.s32 s1, $0xF80  }
.Ltmp8:
0x102: {  	s1 =	sadd.s32 $0x80, s1;
	(pc) =	sbr.rel @p1 .LBB2_26-.Ltmp8, $2  }
0x103: {  	_ =	sdelay $0x2  }
0x104: {  	s4 =	sadd.s32 $0x400, s4;
	s12 =	sadd.s32 s12, s11  }
.Ltmp9:
0x105: {  	_ = 	snop;
	(pc) =	sbr.rel .LBB2_27-.Ltmp9, $1  }
0x106: {  	_ =	sdelay $0x3  }
.LBB2_2:
0x107: {  	s12 =	sadd.s32 $0x0, s3;
	s4 =	simm.s32 $0x1400  }
.LBB2_3:
0x108: {  	[tilespmem:s0], [sflag:$0x1] =	stream.linear.gather [hbm4b:s12+s2], $0x200, $0x38;
	[tilespmem:$0x19000] =	vst v63  }
0x109: {  	s12 =	smov.u32 s1;
	s0 =	smov.u32 s4;
	p1 =	sne.s32 s1, $0x1F80  }
.Ltmp10:
0x10a: {  	s1 =	sadd.s32 $0x80, s1;
	(pc) =	sbr.rel @p1 .LBB2_3-.Ltmp10, $2  }
0x10b: {  	_ =	sdelay $0x2  }
0x10c: {  	s4 =	sadd.s32 $0x400, s4;
	s12 =	sadd.s32 s12, s3  }
0x10d: {  	[tilespmem:s0], [sflag:$0x1] =	stream.linear.gather [hbm4b:s12+s2], $0x200, $0x38;
	[tilespmem:$0x19000] =	vst v63  }
0x10e: {  	s0 =	simm.s32 $0x1200  }
0x10f: {  	s1 =	simm.s32 $0x80;
	s12 =	sadd.s32 $0x0, s5;
	s4 =	simm.s32 $0x1600  }
.LBB2_5:
0x110: {  	[tilespmem:s0], [sflag:$0x2] =	stream.linear.gather [hbm4b:s12+s2], $0x200, $0x38;
	[tilespmem:$0x19000] =	vst v63  }
0x111: {  	s12 =	smov.u32 s1;
	s0 =	smov.u32 s4;
	p1 =	sne.s32 s1, $0x1F80  }
.Ltmp11:
0x112: {  	s1 =	sadd.s32 $0x80, s1;
	(pc) =	sbr.rel @p1 .LBB2_5-.Ltmp11, $2  }
0x113: {  	_ =	sdelay $0x2  }
0x114: {  	s4 =	sadd.s32 $0x400, s4;
	s12 =	sadd.s32 s12, s5  }
0x115: {  	[tilespmem:s0], [sflag:$0x2] =	stream.linear.gather [hbm4b:s12+s2], $0x200, $0x38;
	[tilespmem:$0x19000] =	vst v63  }
0x116: {  	s24 =	simm.s32 $0x3  }
0x117: {  	_ =	swait.ge [sflag:s24], $0x1000  }
0x118: {  	[sflag:s24] =	ssyncset.done $0x0  }
0x119: {  	s25 =	simm.s32 $0x0;
	s26 =	simm.s32 $0x1;
	[sflag:s24] =	ssyncadd.s32 $0xFFFFF000  }
0x11a: {  	s1 =	sand.u32 $0x40, s25;
	_ =	swait.ge [sflag:s26], $0x8000  }
0x11b: {  	s4 =	sand.u32 $0xF80, s25;
	s13 =	sor.u32 $0x30, s1;
	[sflag:s26] =	ssyncset.done $0x0  }
0x11c: {  	s14 =	sor.u32 s13, s4;
	[sflag:s26] =	ssyncadd.s32 $0xFFFF8000  }
0x11d: {  	v0 =	vld [tilespmem:s14+$0x0];
	_ =	sdelay $0x1  }
0x11e: {  	s22 =	sor.u32 $0x10, s1;
	v1 =	vld [tilespmem:s25+$0x0]  }
0x11f: {  	s24 =	sor.u32 $0x20, s1;
	s15 =	sor.u32 s22, s4  }
0x120: {  	s4 =	sor.u32 s24, s4;
	v2 =	vld [tilespmem:s15+$0x0]  }
0x121: {  	v3 =	vld [tilespmem:s4+$0x0];
	v4 =	vshll.u32 v0, $0x3  }
0x122: {  	v0 =	vand.u32 $0x7F, v0;
	v4 =	vand.u32 $0xFFFFFC00, v4  }
0x123: {  	v5 =	vshll.u32 v1, $0x3;
	v4 =	vor.u32 v0, v4  }
0x124: {  	v0 =	vand.u32 $0x7F, v1;
	v1 =	vand.u32 $0xFFFFFC00, v5  }
0x125: {  	v5 =	vor.u32 v0, v1;
	v0 =	vshll.u32 v2, $0x3  }
0x126: {  	s16 =	simm.s32 $0x40;
	v1 =	vshll.u32 v3, $0x3;
	v2 =	vand.u32 $0x7F, v2;
	v0 =	vand.u32 $0xFFFFFC00, v0  }
0x127: {  	s12 =	sand.u32 $0x40, s16;
	v1 =	vand.u32 $0xFFFFFC00, v1;
	v2 =	vor.u32 v2, v0;
	v0 =	vand.u32 $0x7F, v3  }
0x128: {  	s18 =	sor.u32 $0x30, s12;
	s4 =	sand.u32 $0xF80, s16;
	v3 =	vor.u32 v0, v1;
	v0 =	vld.idx.msk [tilespmem:v4+s17+$0x0], $0xffff  }
0x129: {  	v6 =	vld [tilespmem:s16+$0x0];
	s14 =	sor.u32 $0x10, s12;
	s19 =	sor.u32 s18, s4  }
0x12a: {  	s29 =	simm.s32 $0x200;
	s0 =	sand.u32 $0x7C00, s25;
	s26 =	sor.u32 s14, s4;
	v11 =	vld [tilespmem:s19+$0x0];
	v1 =	vor.u32 $0x80, v4  }
0x12b: {  	s25 =	sadd.s32 $0x11000, s0;
	s15 =	sor.u32 $0x20, s12;
	s16 =	sand.u32 $0x7C00, s29;
	v13 =	vld [tilespmem:s26+$0x0]  }
0x12c: {  	s23 =	sor.u32 s13, s25;
	s20 =	sor.u32 s15, s4;
	s13 =	sor.u32 s22, s25;
	v8 =	vld.idx.msk [tilespmem:v2+s17+$0x0], $0xffff  }
0x12d: {  	s4 =	sor.u32 s24, s25;
	s22 =	sor.u32 s1, s25;
	s25 =	simm.s32 $0x80;
	v9 =	vld.idx.msk [tilespmem:v3+s17+$0x0], $0xffff;
	[tilespmem:s23+$0x0] =	vst v0;
	v0 =	vor.u32 $0x80, v2  }
0x12e: {  	s16 =	sadd.s32 $0x11000, s16;
	s26 =	sand.u32 $0x40, s25;
	v10 =	vor.u32 $0x80, v3;
	v7 =	vld.idx.msk [tilespmem:v5+s17+$0x0], $0xffff  }
0x12f: {  	s28 =	sor.u32 s18, s16;
	s18 =	sand.u32 $0xF80, s25;
	s31 =	sor.u32 $0x30, s26;
	v12 =	vor.u32 $0x80, v5;
	v1 =	vld.idx.msk [tilespmem:v1+s17+$0x0], $0xffff  }
0x130: {  	v16 =	vld [tilespmem:s20+$0x0];
	s30 =	sor.u32 s31, s18;
	v15 =	vshll.u32 v6, $0x3;
	v14 =	vor.u32 $0x100, v4  }
0x131: {  	v6 =	vand.u32 $0x7F, v6;
	v21 =	vld [tilespmem:s30+$0x0];
	[tilespmem:s13+$0x0] =	vst v8;
	v8 =	vand.u32 $0xFFFFFC00, v15  }
0x132: {  	[tilespmem:s4+$0x0] =	vst v9;
	v15 =	vld.idx.msk [tilespmem:v0+s17+$0x0], $0xffff;
	v0 =	vor.u32 v6, v8  }
0x133: {  	[tilespmem:s22+$0x0] =	vst v7;
	v9 =	vshll.u32 v11, $0x3;
	v11 =	vand.u32 $0x7F, v11;
	v6 =	vor.u32 $0x100, v2;
	v7 =	vld.idx.msk [tilespmem:v10+s17+$0x0], $0xffff  }
0x134: {  	v8 =	vor.u32 $0x100, v3;
	v10 =	vld.idx.msk [tilespmem:v12+s17+$0x0], $0xffff;
	v9 =	vand.u32 $0xFFFFFC00, v9;
	[tilespmem:s23+$0x80] =	vst v1;
	v1 =	vshll.u32 v13, $0x3  }
0x135: {  	v12 =	vld.idx.msk [tilespmem:v14+s17+$0x0], $0xffff;
	v14 =	vand.u32 $0xFFFFFC00, v1;
	v1 =	vor.u32 v11, v9  }
0x136: {  	v4 =	vor.u32 $0x180, v4;
	v13 =	vand.u32 $0x7F, v13;
	v9 =	vshll.u32 v16, $0x3;
	v11 =	vld [tilespmem:s25+$0x0]  }
0x137: {  	v9 =	vand.u32 $0xFFFFFC00, v9;
	v13 =	vor.u32 v13, v14;
	v14 =	vand.u32 $0x7F, v16;
	v17 =	vld.idx.msk [tilespmem:v0+s17+$0x0], $0xffff;
	[tilespmem:s13+$0x80] =	vst v15  }
0x138: {  	v14 =	vor.u32 v14, v9;
	[tilespmem:s4+$0x80] =	vst v7;
	v6 =	vld.idx.msk [tilespmem:v6+s17+$0x0], $0xffff  }
0x139: {  	v7 =	vor.u32 $0x100, v5;
	v8 =	vld.idx.msk [tilespmem:v8+s17+$0x0], $0xffff  }
0x13a: {  	v9 =	vld.idx.msk [tilespmem:v1+s17+$0x0], $0xffff;
	[tilespmem:s23+$0x100] =	vst v12  }
0x13b: {  	v2 =	vor.u32 $0x180, v2;
	v4 =	vld.idx.msk [tilespmem:v4+s17+$0x0], $0xffff  }
0x13c: {  	v3 =	vor.u32 $0x180, v3;
	v12 =	vld.idx.msk [tilespmem:v13+s17+$0x0], $0xffff  }
0x13d: {  	s0 =	sor.u32 $0x10, s26;
	v15 =	vor.u32 $0x80, v1;
	[tilespmem:s22+$0x80] =	vst v10;
	v16 =	vld.idx.msk [tilespmem:v14+s17+$0x0], $0xffff  }
0x13e: {  	s19 =	sor.u32 s0, s18;
	v7 =	vld.idx.msk [tilespmem:v7+s17+$0x0], $0xffff;
	[tilespmem:s13+$0x100] =	vst v6  }
0x13f: {  	s30 =	sor.u32 s12, s16;
	v20 =	vor.u32 $0x80, v14;
	[tilespmem:s4+$0x100] =	vst v8;
	v8 =	vld [tilespmem:s19+$0x0]  }
0x140: {  	[tilespmem:s30+$0x0] =	vst v17;
	v18 =	vld.idx.msk [tilespmem:v2+s17+$0x0], $0xffff;
	v2 =	vor.u32 $0x80, v13  }
0x141: {  	s1 =	sor.u32 $0x20, s26;
	v22 =	vor.u32 $0x80, v0;
	[tilespmem:s28+$0x0] =	vst v9;
	v19 =	vld.idx.msk [tilespmem:v3+s17+$0x0], $0xffff  }
0x142: {  	s20 =	sor.u32 s1, s18;
	v23 =	vor.u32 $0x180, v5;
	v15 =	vld.idx.msk [tilespmem:v15+s17+$0x0], $0xffff;
	[tilespmem:s23+$0x180] =	vst v4;
	s23 =	sor.u32 s15, s16  }
0x143: {  	s24 =	sor.u32 s14, s16;
	v17 =	vor.u32 $0x100, v1;
	v9 =	vld [tilespmem:s20+$0x0];
	v4 =	vshll.u32 v11, $0x3;
	[tilespmem:s23+$0x0] =	vst v16  }
0x144: {  	[tilespmem:s24+$0x0] =	vst v12;
	v12 =	vand.u32 $0x7F, v11;
	v4 =	vand.u32 $0xFFFFFC00, v4;
	v11 =	vld.idx.msk [tilespmem:v20+s17+$0x0], $0xffff  }
0x145: {  	v5 =	vor.u32 $0x100, v14;
	v6 =	vor.u32 $0x100, v13;
	[tilespmem:s22+$0x100] =	vst v7;
	v4 =	vor.u32 v12, v4;
	v10 =	vld.idx.msk [tilespmem:v2+s17+$0x0], $0xffff  }
0x146: {  	v7 =	vshll.u32 v21, $0x3;
	v12 =	vld.idx.msk [tilespmem:v22+s17+$0x0], $0xffff;
	v2 =	vor.u32 $0x180, v14;
	v14 =	vshll.u32 v8, $0x3;
	[tilespmem:s13+$0x180] =	vst v18  }
0x147: {  	v63 =	vand.u32 $0x7F, v21;
	v7 =	vand.u32 $0xFFFFFC00, v7;
	[tilespmem:s28+$0x80] =	vst v15;
	v15 =	vand.u32 $0xFFFFFC00, v14;
	v14 =	vld.idx.msk [tilespmem:v23+s17+$0x0], $0xffff  }
0x148: {  	s14 =	simm.s32 $0xC0;
	v3 =	vor.u32 $0x180, v13;
	s13 =	simm.s32 $0x8;
	v16 =	vshll.u32 v9, $0x3;
	v7 =	vor.u32 v63, v7;
	[tilespmem:s4+$0x180] =	vst v19;
	v13 =	vld.idx.msk [tilespmem:v17+s17+$0x0], $0xffff  }
.LBB2_7:
0x149: {  	v17 =	vld [tilespmem:s14+$0x0];
	v8 =	vand.u32 $0x7F, v8;
	v16 =	vand.u32 $0xFFFFFC00, v16;
	v18 =	vor.u32 $0x180, v1;
	v1 =	vmovc v7  }
0x14a: {  	v9 =	vand.u32 $0x7F, v9;
	v19 =	vld.idx.msk [tilespmem:v4+s17+$0x0], $0xffff;
	v8 =	vor.u32 v8, v15;
	v15 =	vor.u32 $0x100, v0;
	[tilespmem:s24+$0x80] =	vst v10  }
0x14b: {  	v9 =	vor.u32 v9, v16;
	v10 =	vor.u32 $0x80, v8;
	v16 =	vld.idx.msk [tilespmem:v6+s17+$0x0], $0xffff;
	v6 =	vor.u32 $0x100, v8;
	[tilespmem:s23+$0x80] =	vst v11  }
0x14c: {  	v11 =	vor.u32 $0x180, v8;
	v20 =	vor.u32 $0x80, v9;
	[tilespmem:s30+$0x80] =	vst v12;
	v12 =	vld.idx.msk [tilespmem:v5+s17+$0x0], $0xffff;
	v5 =	vor.u32 $0x100, v9  }
0x14d: {  	v21 =	vor.u32 $0x180, v9;
	v7 =	vld.idx.msk [tilespmem:v7+s17+$0x0], $0xffff;
	[tilespmem:s28+$0x100] =	vst v13  }
0x14e: {  	v13 =	vld.idx.msk [tilespmem:v18+s17+$0x0], $0xffff;
	[tilespmem:s22+$0x180] =	vst v14;
	s22 =	smov.u32 s30  }
0x14f: {  	s29 =	sadd.s32 $0x200, s29;
	v14 =	vld.idx.msk [tilespmem:v8+s17+$0x0], $0xffff;
	v8 =	vor.u32 $0x80, v1  }
0x150: {  	s4 =	sand.u32 $0x7C00, s29;
	v18 =	vld.idx.msk [tilespmem:v9+s17+$0x0], $0xffff  }
0x151: {  	s25 =	sadd.s32 $0x40, s25;
	s4 =	sadd.s32 $0x11000, s4;
	v15 =	vld.idx.msk [tilespmem:v15+s17+$0x0], $0xffff;
	[tilespmem:s24+$0x100] =	vst v16  }
0x152: {  	s13 =	sadd.s32 $0x4, s13;
	s12 =	sand.u32 $0x40, s25;
	s15 =	sor.u32 s31, s4;
	v16 =	vld.idx.msk [tilespmem:v3+s17+$0x0], $0xffff;
	[tilespmem:s23+$0x100] =	vst v12;
	v3 =	vmov v11  }
0x153: {  	s16 =	sand.u32 $0xF80, s25;
	p1 =	slt.u32 s13, $0xFC;
	s31 =	sor.u32 $0x30, s12;
	[tilespmem:s15+$0x0] =	vst v7;
	v22 =	vld.idx.msk [tilespmem:v2+s17+$0x0], $0xffff;
	v2 =	vmov v21  }
0x154: {  	s18 =	sor.u32 $0x10, s12;
	s19 =	sor.u32 $0x20, s12;
	s30 =	sor.u32 s31, s16;
	v7 =	vld.idx.msk [tilespmem:v8+s17+$0x0], $0xffff;
	[tilespmem:s28+$0x180] =	vst v13  }
0x155: {  	v12 =	vor.u32 $0x80, v4;
	s28 =	sor.u32 s18, s16;
	s16 =	sor.u32 s19, s16;
	v13 =	vld [tilespmem:s30+$0x0];
	s30 =	sor.u32 s26, s4  }
0x156: {  	s20 =	sor.u32 s0, s4;
	s4 =	sor.u32 s1, s4;
	s26 =	smov.u32 s12;
	v8 =	vld [tilespmem:s28+$0x0];
	[tilespmem:s30+$0x0] =	vst v19;
	v19 =	vor.u32 $0x100, v1  }
0x157: {  	s0 =	smov.u32 s18;
	v11 =	vshll.u32 v17, $0x3;
	s1 =	smov.u32 s19;
	s28 =	smov.u32 s15;
	v9 =	vld [tilespmem:s16+$0x0];
	[tilespmem:s20+$0x0] =	vst v14;
	v14 =	vor.u32 $0x180, v0;
	v0 =	vmov v4  }
.Ltmp12:
0x158: {  	v11 =	vand.u32 $0xFFFFFC00, v11;
	v4 =	vand.u32 $0x7F, v17;
	v10 =	vld.idx.msk [tilespmem:v10+s17+$0x0], $0xffff;
	[tilespmem:s4+$0x0] =	vst v18;
	(pc) =	sbr.rel @p1 .LBB2_7-.Ltmp12, $4  }
0x159: {  	v4 =	vor.u32 v4, v11;
	v11 =	vld.idx.msk [tilespmem:v20+s17+$0x0], $0xffff;
	[tilespmem:s22+$0x100] =	vst v15  }
0x15a: {  	v15 =	vshll.u32 v13, $0x3;
	v12 =	vld.idx.msk [tilespmem:v12+s17+$0x0], $0xffff;
	[tilespmem:s28+$0x80] =	vst v7  }
0x15b: {  	v17 =	vand.u32 $0x7F, v13;
	v7 =	vshll.u32 v8, $0x3;
	v18 =	vand.u32 $0xFFFFFC00, v15;
	v13 =	vld.idx.msk [tilespmem:v19+s17+$0x0], $0xffff;
	[tilespmem:s24+$0x180] =	vst v16;
	s24 =	smov.u32 s20  }
0x15c: {  	s14 =	sadd.s32 $0x40, s14;
	v15 =	vand.u32 $0xFFFFFC00, v7;
	v16 =	vshll.u32 v9, $0x3;
	v7 =	vor.u32 v17, v18;
	v14 =	vld.idx.msk [tilespmem:v14+s17+$0x0], $0xffff;
	[tilespmem:s23+$0x180] =	vst v22;
	s23 =	smov.u32 s4  }
0x15d: {  	_ = 	snop  }
0x15e: {  	v8 =	vand.u32 $0x7F, v8  }
0x15f: {  	v16 =	vand.u32 $0xFFFFFC00, v16;
	v9 =	vand.u32 $0x7F, v9;
	v8 =	vor.u32 v8, v15  }
0x160: {  	v9 =	vor.u32 v9, v16  }
0x161: {  	[tilespmem:s24+$0x80] =	vst v10;
	v42 =	vld.idx.msk [tilespmem:v7+s17+$0x0], $0xffff  }
0x162: {  	v1 =	vor.u32 $0x180, v1;
	s4 =	sadd.s32 $0x200, s29;
	v46 =	vld.idx.msk [tilespmem:v4+s17+$0x0], $0xffff;
	[tilespmem:s23+$0x80] =	vst v11  }
0x163: {  	v44 =	vor.u32 $0x80, v7;
	v6 =	vld.idx.msk [tilespmem:v6+s17+$0x0], $0xffff;
	s4 =	sand.u32 $0x7C00, s4;
	[tilespmem:s30+$0x80] =	vst v12  }
0x164: {  	v47 =	vor.u32 $0x80, v4;
	s4 =	sadd.s32 $0x11000, s4;
	[tilespmem:s28+$0x100] =	vst v13;
	v43 =	vld.idx.msk [tilespmem:v8+s17+$0x0], $0xffff  }
0x165: {  	v15 =	vor.u32 $0x80, v8;
	s12 =	sor.u32 s31, s4;
	[tilespmem:s22+$0x180] =	vst v14;
	v45 =	vld.idx.msk [tilespmem:v9+s17+$0x0], $0xffff  }
0x166: {  	v17 =	vor.u32 $0x80, v9;
	v5 =	vld.idx.msk [tilespmem:v5+s17+$0x0], $0xffff;
	s0 =	sor.u32 s0, s4;
	s1 =	sor.u32 s1, s4;
	s4 =	sor.u32 s26, s4;
	[tilespmem:s12+$0x0] =	vst v42  }
0x167: {  	v48 =	vor.u32 $0x100, v0;
	v1 =	vld.idx.msk [tilespmem:v1+s17+$0x0], $0xffff;
	[tilespmem:s4+$0x0] =	vst v46  }
0x168: {  	[tilespmem:s24+$0x100] =	vst v6;
	v10 =	vld.idx.msk [tilespmem:v44+s17+$0x0], $0xffff  }
0x169: {  	v49 =	vor.u32 $0x100, v7;
	v54 =	vld.idx.msk [tilespmem:v47+s17+$0x0], $0xffff;
	[tilespmem:s0+$0x0] =	vst v43  }
0x16a: {  	v56 =	vor.u32 $0x100, v4;
	[tilespmem:s1+$0x0] =	vst v45;
	v50 =	vld.idx.msk [tilespmem:v15+s17+$0x0], $0xffff  }
0x16b: {  	v51 =	vor.u32 $0x100, v8;
	[tilespmem:s23+$0x100] =	vst v5;
	v52 =	vld.idx.msk [tilespmem:v17+s17+$0x0], $0xffff  }
0x16c: {  	v53 =	vor.u32 $0x100, v9;
	v55 =	vld.idx.msk [tilespmem:v48+s17+$0x0], $0xffff;
	[tilespmem:s28+$0x180] =	vst v1  }
0x16d: {  	v3 =	vld.idx.msk [tilespmem:v3+s17+$0x0], $0xffff;
	[tilespmem:s12+$0x80] =	vst v10  }
0x16e: {  	v57 =	vor.u32 $0x180, v0;
	[tilespmem:s4+$0x80] =	vst v54;
	v10 =	vld.idx.msk [tilespmem:v49+s17+$0x0], $0xffff  }
0x16f: {  	v58 =	vor.u32 $0x180, v7;
	v1 =	vld.idx.msk [tilespmem:v56+s17+$0x0], $0xffff;
	[tilespmem:s0+$0x80] =	vst v50  }
0x170: {  	v61 =	vor.u32 $0x180, v4;
	[tilespmem:s1+$0x80] =	vst v52;
	v59 =	vld.idx.msk [tilespmem:v51+s17+$0x0], $0xffff  }
0x171: {  	v8 =	vor.u32 $0x180, v8;
	[tilespmem:s30+$0x100] =	vst v55;
	v60 =	vld.idx.msk [tilespmem:v53+s17+$0x0], $0xffff  }
0x172: {  	v9 =	vor.u32 $0x180, v9;
	v2 =	vld.idx.msk [tilespmem:v2+s17+$0x0], $0xffff;
	[tilespmem:s24+$0x180] =	vst v3  }
0x173: {  	v0 =	vld.idx.msk [tilespmem:v57+s17+$0x0], $0xffff;
	[tilespmem:s12+$0x100] =	vst v10  }
0x174: {  	[tilespmem:s4+$0x100] =	vst v1;
	v62 =	vld.idx.msk [tilespmem:v58+s17+$0x0], $0xffff  }
0x175: {  	v1 =	vld.idx.msk [tilespmem:v61+s17+$0x0], $0xffff;
	[tilespmem:s0+$0x100] =	vst v59  }
0x176: {  	[tilespmem:s1+$0x100] =	vst v60;
	v63 =	vld.idx.msk [tilespmem:v8+s17+$0x0], $0xffff  }
0x177: {  	[tilespmem:s23+$0x180] =	vst v2;
	v5 =	vld.idx.msk [tilespmem:v9+s17+$0x0], $0xffff  }
0x178: {  	[tilespmem:s30+$0x180] =	vst v0  }
0x179: {  	[tilespmem:s12+$0x180] =	vst v62  }
0x17a: {  	[tilespmem:s4+$0x180] =	vst v1  }
0x17b: {  	s12 =	sadd.s32 $0x0, s6;
	[tilespmem:s0+$0x180] =	vst v63  }
0x17c: {  	s4 =	simm.s32 $0x11400;
	[tilespmem:s1+$0x180] =	vst v5;
	s0 =	simm.s32 $0x11000;
	s1 =	simm.s32 $0x80  }
.LBB2_9:
0x17d: {  	[hbm4b:s12+s2] =	stream.linear.scatter [tilespmem:s0], [sflag:$0x4], $0x200, $0x38;
	[tilespmem:$0x19000] =	vst v63  }
0x17e: {  	s12 =	smov.u32 s1;
	s0 =	smov.u32 s4;
	p1 =	sne.s32 s1, $0xF80  }
.Ltmp13:
0x17f: {  	s1 =	sadd.s32 $0x80, s1;
	(pc) =	sbr.rel @p1 .LBB2_9-.Ltmp13, $2  }
0x180: {  	_ =	sdelay $0x2  }
0x181: {  	s4 =	sadd.s32 $0x400, s4;
	s12 =	sadd.s32 s12, s6  }
0x182: {  	[hbm4b:s12+s2] =	stream.linear.scatter [tilespmem:s0], [sflag:$0x4], $0x200, $0x38;
	[tilespmem:$0x19000] =	vst v63  }
0x183: {  	s23 =	simm.s32 $0x2  }
0x184: {  	_ =	swait.ge [sflag:s23], $0x8000  }
0x185: {  	s24 =	simm.s32 $0x0;
	[sflag:s23] =	ssyncset.done $0x0  }
0x186: {  	s0 =	sand.u32 $0xFC0, s24;
	[sflag:s23] =	ssyncadd.s32 $0xFFFF8000  }
0x187: {  	v1 =	vld [tilespmem:s0+$0x30];
	_ =	sdelay $0x1  }
0x188: {  	v0 =	vld [tilespmem:s24+$0x0]  }
0x189: {  	v2 =	vld [tilespmem:s0+$0x10];
	_ =	sdelay $0x1  }
0x18a: {  	v3 =	vld [tilespmem:s0+$0x20];
	v5 =	vshll.u32 v1, $0x3  }
0x18b: {  	v1 =	vand.u32 $0x7F, v1;
	v5 =	vand.u32 $0xFFFFFC00, v5  }
0x18c: {  	v4 =	vshll.u32 v0, $0x3;
	v0 =	vand.u32 $0x7F, v0;
	v5 =	vor.u32 v1, v5  }
0x18d: {  	v4 =	vand.u32 $0xFFFFFC00, v4;
	v1 =	vshll.u32 v2, $0x3;
	v6 =	vor.u32 $0x200, v5  }
0x18e: {  	v4 =	vor.u32 v0, v4;
	v2 =	vand.u32 $0x7F, v2;
	v1 =	vand.u32 $0xFFFFFC00, v1  }
0x18f: {  	v7 =	vshll.u32 v3, $0x3;
	v0 =	vor.u32 $0x200, v4;
	v2 =	vor.u32 v2, v1  }
0x190: {  	s1 =	simm.s32 $0x40;
	v7 =	vand.u32 $0xFFFFFC00, v7;
	v1 =	vand.u32 $0x7F, v3;
	v3 =	vor.u32 $0x200, v2  }
0x191: {  	p1 =	por $0x0, $0x0;
	s0 =	simm.s32 $0x1;
	v8 =	vld [tilespmem:s1+$0x0];
	v7 =	vor.u32 v1, v7  }
0x192: {  	s13 =	sand.u32 $0xFC0, s1;
	s0 =	simm.s32 @!p1 $0x0;
	v1 =	vor.u32 $0x200, v7;
	v6 =	vld.idx.msk [tilespmem:v6+s17+$0x0], $0xffff  }
0x193: {  	v11 =	vld [tilespmem:s13+$0x30];
	s0 =	sshll.u32 s0, $0x6;
	v9 =	vor.u32 $0x280, v5  }
0x194: {  	s0 =	sadd.s32 $0x0, s0;
	v10 =	vld.idx.msk [tilespmem:v0+s17+$0x0], $0xffff  }
0x195: {  	s12 =	sadd.s32 $0x30, s0;
	v12 =	vor.u32 $0x280, v4;
	v0 =	vld.idx.msk [tilespmem:v3+s17+$0x0], $0xffff  }
0x196: {  	v14 =	vld [tilespmem:s13+$0x10];
	s25 =	sor.u32 $0x200, s12;
	v3 =	vor.u32 $0x280, v2  }
0x197: {  	v1 =	vld.idx.msk [tilespmem:v1+s17+$0x0], $0xffff;
	[tilespmem:s25+$0x11000] =	vst v6  }
0x198: {  	s4 =	sadd.s32 $0x10, s0;
	s15 =	sor.u32 $0x200, s0;
	v6 =	vor.u32 $0x280, v7;
	v9 =	vld.idx.msk [tilespmem:v9+s17+$0x0], $0xffff  }
0x199: {  	v15 =	vld [tilespmem:s13+$0x20];
	v13 =	vshll.u32 v8, $0x3;
	s14 =	sor.u32 $0x200, s4;
	v16 =	vor.u32 $0x300, v5;
	[tilespmem:s15+$0x11000] =	vst v10  }
0x19a: {  	s22 =	simm.s32 $0x80;
	s1 =	sadd.s32 $0x20, s0;
	v8 =	vand.u32 $0x7F, v8;
	v13 =	vand.u32 $0xFFFFFC00, v13;
	v12 =	vld.idx.msk [tilespmem:v12+s17+$0x0], $0xffff;
	[tilespmem:s14+$0x11000] =	vst v0  }
0x19b: {  	s26 =	sor.u32 $0x200, s1;
	v18 =	vshll.u32 v14, $0x3;
	v10 =	vor.u32 $0x300, v4;
	s25 =	sand.u32 $0xFC0, s22;
	v0 =	vor.u32 v8, v13;
	v3 =	vld.idx.msk [tilespmem:v3+s17+$0x0], $0xffff  }
0x19c: {  	s16 =	sor.u32 $0x280, s12;
	v17 =	vor.u32 $0x300, v7;
	v20 =	vld [tilespmem:s25+$0x30];
	[tilespmem:s26+$0x11000] =	vst v1;
	v13 =	vor.u32 $0x200, v0;
	v1 =	vshll.u32 v11, $0x3  }
0x19d: {  	v8 =	vor.u32 $0x300, v2;
	v11 =	vand.u32 $0x7F, v11;
	v1 =	vand.u32 $0xFFFFFC00, v1;
	v6 =	vld.idx.msk [tilespmem:v6+s17+$0x0], $0xffff;
	[tilespmem:s16+$0x11000] =	vst v9  }
0x19e: {  	s20 =	sor.u32 $0x280, s0;
	v1 =	vor.u32 v11, v1;
	v9 =	vand.u32 $0xFFFFFC00, v18;
	v18 =	vshll.u32 v15, $0x3;
	v11 =	vld.idx.msk [tilespmem:v16+s17+$0x0], $0xffff  }
0x19f: {  	s18 =	sor.u32 $0x280, s4;
	v14 =	vand.u32 $0x7F, v14;
	v19 =	vor.u32 $0x200, v1;
	[tilespmem:s20+$0x11000] =	vst v12;
	v16 =	vld [tilespmem:s22+$0x0];
	v18 =	vand.u32 $0xFFFFFC00, v18  }
0x1a0: {  	v14 =	vor.u32 v14, v9;
	v9 =	vand.u32 $0x7F, v15;
	v10 =	vld.idx.msk [tilespmem:v10+s17+$0x0], $0xffff;
	[tilespmem:s18+$0x11000] =	vst v3;
	v3 =	vor.u32 $0x380, v5  }
0x1a1: {  	s19 =	sor.u32 $0x280, s1;
	v13 =	vld.idx.msk [tilespmem:v13+s17+$0x0], $0xffff;
	v5 =	vor.u32 $0x200, v14;
	v15 =	vor.u32 v9, v18  }
0x1a2: {  	v8 =	vld.idx.msk [tilespmem:v8+s17+$0x0], $0xffff;
	[tilespmem:s19+$0x11000] =	vst v6;
	v6 =	vor.u32 $0x200, v15  }
0x1a3: {  	s13 =	simm.s32 $0x1;
	p1 =	por !p1, !p1;
	s23 =	sor.u32 $0x300, s12;
	v2 =	vor.u32 $0x380, v2;
	v9 =	vld.idx.msk [tilespmem:v17+s17+$0x0], $0xffff  }
0x1a4: {  	s13 =	simm.s32 @!p1 $0x0;
	v7 =	vor.u32 $0x380, v7;
	v12 =	vld.idx.msk [tilespmem:v19+s17+$0x0], $0xffff;
	[tilespmem:s23+$0x11000] =	vst v11  }
0x1a5: {  	s13 =	sshll.u32 s13, $0x6;
	s16 =	sor.u32 $0x300, s0;
	v11 =	vor.u32 $0x280, v1;
	v3 =	vld.idx.msk [tilespmem:v3+s17+$0x0], $0xffff  }
0x1a6: {  	s13 =	sadd.s32 $0x200, s13;
	s24 =	sor.u32 $0x300, s4;
	[tilespmem:s16+$0x11000] =	vst v10;
	v5 =	vld.idx.msk [tilespmem:v5+s17+$0x0], $0xffff  }
0x1a7: {  	s15 =	sor.u32 $0x300, s1;
	s23 =	sadd.s32 $0x30, s13;
	[tilespmem:s24+$0x11000] =	vst v8;
	v17 =	vld.idx.msk [tilespmem:v6+s17+$0x0], $0xffff  }
0x1a8: {  	v10 =	vor.u32 $0x280, v0;
	s26 =	sor.u32 $0x200, s23;
	v8 =	vld.idx.msk [tilespmem:v2+s17+$0x0], $0xffff;
	[tilespmem:s15+$0x11000] =	vst v9  }
0x1a9: {  	v2 =	vor.u32 $0x280, v14;
	[tilespmem:s26+$0x11000] =	vst v12;
	v18 =	vld.idx.msk [tilespmem:v7+s17+$0x0], $0xffff  }
0x1aa: {  	v19 =	vor.u32 $0x280, v15;
	s24 =	sor.u32 $0x200, s13;
	v21 =	vld.idx.msk [tilespmem:v11+s17+$0x0], $0xffff  }
0x1ab: {  	s28 =	simm.s32 $0x200;
	s12 =	sor.u32 $0x380, s12;
	v22 =	vor.u32 $0x380, v4;
	v4 =	vshll.u32 v16, $0x3;
	[tilespmem:s24+$0x11000] =	vst v13;
	s15 =	sadd.s32 $0x10, s13;
	v7 =	vld [tilespmem:s25+$0x10]  }
0x1ac: {  	s29 =	simm.s32 $0x8;
	v23 =	vor.u32 $0x300, v1;
	s16 =	sadd.s32 $0x20, s13;
	v4 =	vand.u32 $0xFFFFFC00, v4;
	v9 =	vld [tilespmem:s25+$0x20];
	v12 =	vand.u32 $0x7F, v16;
	s18 =	sor.u32 $0x200, s15;
	[tilespmem:s12+$0x11000] =	vst v3  }
0x1ad: {  	s14 =	sor.u32 $0x280, s13;
	s20 =	sor.u32 $0x380, s1;
	v6 =	vor.u32 $0x300, v14;
	v4 =	vor.u32 v12, v4;
	s12 =	sor.u32 $0x200, s16;
	[tilespmem:s18+$0x11000] =	vst v5;
	v3 =	vor.u32 $0x380, v14;
	v14 =	vld.idx.msk [tilespmem:v10+s17+$0x0], $0xffff  }
0x1ae: {  	s1 =	sor.u32 $0x380, s13;
	s19 =	sor.u32 $0x380, s4;
	s4 =	sor.u32 $0x280, s16;
	v16 =	vand.u32 $0x7F, v20;
	v12 =	vor.u32 $0x200, v4;
	[tilespmem:s12+$0x11000] =	vst v17;
	v11 =	vld.idx.msk [tilespmem:v2+s17+$0x0], $0xffff  }
0x1af: {  	s30 =	sor.u32 $0x300, s16;
	s24 =	sor.u32 $0x380, s16;
	s25 =	sor.u32 $0x280, s23;
	v5 =	vor.u32 $0x300, v15;
	v2 =	vor.u32 $0x380, v15;
	[tilespmem:s19+$0x11000] =	vst v8;
	v15 =	vshll.u32 v20, $0x3;
	v13 =	vld.idx.msk [tilespmem:v19+s17+$0x0], $0xffff  }
0x1b0: {  	s26 =	sor.u32 $0x380, s0;
	s0 =	sor.u32 $0x300, s13;
	s13 =	simm.s32 $0xC0;
	v8 =	vor.u32 $0x300, v0;
	v19 =	vand.u32 $0xFFFFFC00, v15;
	v15 =	vld.idx.msk [tilespmem:v22+s17+$0x0], $0xffff;
	v10 =	vshll.u32 v7, $0x3;
	[tilespmem:s25+$0x11000] =	vst v21  }
0x1b1: {  	s31 =	sor.u32 $0x300, s15;
	s12 =	sor.u32 $0x280, s15;
	s25 =	sor.u32 $0x380, s15;
	[tilespmem:s20+$0x11000] =	vst v18;
	v18 =	vshll.u32 v9, $0x3;
	v17 =	vand.u32 $0xFFFFFC00, v10;
	v10 =	vor.u32 v16, v19;
	v16 =	vld.idx.msk [tilespmem:v23+s17+$0x0], $0xffff  }
.LBB2_11:
0x1b2: {  	v19 =	vld [tilespmem:s13+$0x0];
	v7 =	vand.u32 $0x7F, v7;
	v18 =	vand.u32 $0xFFFFFC00, v18;
	v20 =	vor.u32 $0x200, v10  }
0x1b3: {  	v9 =	vand.u32 $0x7F, v9;
	v12 =	vld.idx.msk [tilespmem:v12+s17+$0x0], $0xffff;
	v7 =	vor.u32 v7, v17;
	[tilespmem:s12+$0x11000] =	vst v11;
	v11 =	vor.u32 $0x380, v1;
	v1 =	vmovc v10  }
0x1b4: {  	v9 =	vor.u32 v9, v18;
	v10 =	vor.u32 $0x200, v7;
	v17 =	vor.u32 $0x280, v7;
	v18 =	vld.idx.msk [tilespmem:v6+s17+$0x0], $0xffff;
	[tilespmem:s4+$0x11000] =	vst v13  }
0x1b5: {  	v6 =	vor.u32 $0x300, v7;
	v13 =	vor.u32 $0x200, v9;
	v21 =	vor.u32 $0x280, v9;
	[tilespmem:s14+$0x11000] =	vst v14;
	v14 =	vld.idx.msk [tilespmem:v5+s17+$0x0], $0xffff  }
0x1b6: {  	v7 =	vor.u32 $0x380, v7;
	s4 =	sor.u32 $0x300, s23;
	v5 =	vor.u32 $0x300, v9;
	v9 =	vor.u32 $0x380, v9;
	v8 =	vld.idx.msk [tilespmem:v8+s17+$0x0], $0xffff;
	[tilespmem:s26+$0x11000] =	vst v15;
	s26 =	smov.u32 s1  }
0x1b7: {  	p1 =	por !p1, !p1;
	s1 =	simm.s32 $0x1;
	v15 =	vld.idx.msk [tilespmem:v20+s17+$0x0], $0xffff;
	[tilespmem:s4+$0x11000] =	vst v16  }
0x1b8: {  	s1 =	simm.s32 @!p1 $0x0;
	v11 =	vld.idx.msk [tilespmem:v11+s17+$0x0], $0xffff  }
0x1b9: {  	s28 =	sadd.s32 $0x200, s28;
	v16 =	vor.u32 $0x280, v1;
	s1 =	sshll.u32 s1, $0x6;
	v10 =	vld.idx.msk [tilespmem:v10+s17+$0x0], $0xffff  }
0x1ba: {  	s22 =	sadd.s32 $0x40, s22;
	s1 =	sadd.s32 s1, s28;
	v13 =	vld.idx.msk [tilespmem:v13+s17+$0x0], $0xffff;
	[tilespmem:s31+$0x11000] =	vst v18  }
0x1bb: {  	s29 =	sadd.s32 $0x4, s29;
	s15 =	sadd.s32 $0x10, s1;
	s16 =	sadd.s32 $0x30, s1;
	v18 =	vld.idx.msk [tilespmem:v3+s17+$0x0], $0xffff;
	[tilespmem:s30+$0x11000] =	vst v14;
	v3 =	vmov v7  }
0x1bc: {  	s18 =	sand.u32 $0xFC0, s22;
	s19 =	sadd.s32 $0x20, s1;
	s4 =	sor.u32 $0x200, s16;
	[tilespmem:s0+$0x11000] =	vst v8;
	v20 =	vld.idx.msk [tilespmem:v2+s17+$0x0], $0xffff;
	v2 =	vmov v9  }
0x1bd: {  	p2 =	slt.u32 s29, $0xFC;
	s0 =	sor.u32 $0x200, s15;
	v22 =	vld [tilespmem:s18+$0x30];
	[tilespmem:s4+$0x11000] =	vst v15;
	s4 =	sor.u32 $0x380, s23  }
0x1be: {  	s20 =	sor.u32 $0x200, s1;
	s14 =	sor.u32 $0x280, s1;
	v8 =	vor.u32 $0x280, v4;
	s23 =	sor.u32 $0x200, s19;
	v15 =	vld.idx.msk [tilespmem:v16+s17+$0x0], $0xffff;
	[tilespmem:s4+$0x11000] =	vst v11  }
0x1bf: {  	s12 =	sor.u32 $0x280, s15;
	s31 =	sor.u32 $0x300, s15;
	v9 =	vshll.u32 v19, $0x3;
	s4 =	sor.u32 $0x280, s19;
	v7 =	vld [tilespmem:s18+$0x10];
	[tilespmem:s0+$0x11000] =	vst v10;
	v10 =	vor.u32 $0x380, v0;
	v0 =	vmov v4  }
0x1c0: {  	s30 =	sor.u32 $0x300, s19;
	s15 =	sor.u32 $0x380, s15;
	v11 =	vand.u32 $0xFFFFFC00, v9;
	v16 =	vor.u32 $0x300, v1;
	v4 =	vand.u32 $0x7F, v19;
	s0 =	sor.u32 $0x300, s1;
	v9 =	vld [tilespmem:s18+$0x20];
	[tilespmem:s23+$0x11000] =	vst v13  }
.Ltmp14:
0x1c1: {  	s1 =	sor.u32 $0x380, s1;
	v4 =	vor.u32 v4, v11;
	s18 =	sor.u32 $0x380, s19;
	[tilespmem:s20+$0x11000] =	vst v12;
	v11 =	vld.idx.msk [tilespmem:v17+s17+$0x0], $0xffff;
	(pc) =	sbr.rel @p2 .LBB2_11-.Ltmp14, $4  }
0x1c2: {  	s23 =	smov.u32 s16;
	v12 =	vor.u32 $0x200, v4;
	v13 =	vld.idx.msk [tilespmem:v21+s17+$0x0], $0xffff;
	[tilespmem:s25+$0x11000] =	vst v18;
	s25 =	smov.u32 s15  }
0x1c3: {  	v17 =	vshll.u32 v22, $0x3;
	s15 =	sor.u32 $0x280, s23;
	v14 =	vld.idx.msk [tilespmem:v8+s17+$0x0], $0xffff;
	v8 =	vor.u32 $0x300, v0;
	[tilespmem:s24+$0x11000] =	vst v20;
	s24 =	smov.u32 s18  }
0x1c4: {  	v19 =	vand.u32 $0x7F, v22;
	v20 =	vand.u32 $0xFFFFFC00, v17;
	v18 =	vshll.u32 v7, $0x3;
	[tilespmem:s15+$0x11000] =	vst v15;
	v15 =	vld.idx.msk [tilespmem:v10+s17+$0x0], $0xffff  }
0x1c5: {  	s13 =	sadd.s32 $0x40, s13;
	v10 =	vor.u32 v19, v20;
	v17 =	vand.u32 $0xFFFFFC00, v18;
	v18 =	vshll.u32 v9, $0x3;
	v16 =	vld.idx.msk [tilespmem:v16+s17+$0x0], $0xffff  }
0x1c6: {  	v7 =	vand.u32 $0x7F, v7;
	v18 =	vand.u32 $0xFFFFFC00, v18  }
0x1c7: {  	v19 =	vor.u32 $0x200, v10;
	v9 =	vand.u32 $0x7F, v9;
	v7 =	vor.u32 v7, v17  }
0x1c8: {  	v9 =	vor.u32 v9, v18;
	v17 =	vor.u32 $0x200, v7  }
0x1c9: {  	[tilespmem:s12+$0x11000] =	vst v11;
	v18 =	vor.u32 $0x200, v9  }
0x1ca: {  	v6 =	vld.idx.msk [tilespmem:v6+s17+$0x0], $0xffff  }
0x1cb: {  	p1 =	por !p1, !p1;
	s12 =	simm.s32 $0x1;
	v12 =	vld.idx.msk [tilespmem:v12+s17+$0x0], $0xffff;
	[tilespmem:s4+$0x11000] =	vst v13  }
0x1cc: {  	v46 =	vor.u32 $0x280, v4;
	s12 =	simm.s32 @!p1 $0x0;
	[tilespmem:s14+$0x11000] =	vst v14;
	v40 =	vld.idx.msk [tilespmem:v19+s17+$0x0], $0xffff  }
0x1cd: {  	v42 =	vor.u32 $0x280, v10;
	s22 =	sadd.s32 $0x200, s28;
	s13 =	sor.u32 $0x300, s23;
	s20 =	sshll.u32 s12, $0x6;
	[tilespmem:s26+$0x11000] =	vst v15;
	v41 =	vld.idx.msk [tilespmem:v17+s17+$0x0], $0xffff  }
0x1ce: {  	v43 =	vor.u32 $0x280, v7;
	s4 =	sadd.s32 s20, s22;
	[tilespmem:s13+$0x11000] =	vst v16;
	v44 =	vld.idx.msk [tilespmem:v18+s17+$0x0], $0xffff  }
0x1cf: {  	v45 =	vor.u32 $0x280, v9;
	v5 =	vld.idx.msk [tilespmem:v5+s17+$0x0], $0xffff;
	s12 =	sadd.s32 $0x30, s4;
	[tilespmem:s31+$0x11000] =	vst v6;
	s31 =	sor.u32 $0x200, s4  }
0x1d0: {  	v1 =	vor.u32 $0x380, v1;
	v8 =	vld.idx.msk [tilespmem:v8+s17+$0x0], $0xffff;
	s13 =	sadd.s32 $0x10, s4;
	s28 =	sor.u32 $0x200, s12;
	[tilespmem:s31+$0x11000] =	vst v12  }
0x1d1: {  	s15 =	sadd.s32 $0x20, s4;
	s16 =	sor.u32 $0x200, s13;
	v52 =	vld.idx.msk [tilespmem:v46+s17+$0x0], $0xffff;
	[tilespmem:s28+$0x11000] =	vst v40  }
0x1d2: {  	v53 =	vor.u32 $0x300, v4;
	s29 =	sor.u32 $0x200, s15;
	v11 =	vld.idx.msk [tilespmem:v42+s17+$0x0], $0xffff;
	[tilespmem:s16+$0x11000] =	vst v41  }
0x1d3: {  	v47 =	vor.u32 $0x300, v10;
	[tilespmem:s29+$0x11000] =	vst v44;
	v48 =	vld.idx.msk [tilespmem:v43+s17+$0x0], $0xffff  }
0x1d4: {  	v49 =	vor.u32 $0x300, v7;
	[tilespmem:s30+$0x11000] =	vst v5;
	v50 =	vld.idx.msk [tilespmem:v45+s17+$0x0], $0xffff  }
0x1d5: {  	v51 =	vor.u32 $0x300, v9;
	s19 =	sor.u32 $0x280, s4;
	v1 =	vld.idx.msk [tilespmem:v1+s17+$0x0], $0xffff;
	[tilespmem:s0+$0x11000] =	vst v8  }
0x1d6: {  	s14 =	sor.u32 $0x280, s12;
	v3 =	vld.idx.msk [tilespmem:v3+s17+$0x0], $0xffff;
	[tilespmem:s19+$0x11000] =	vst v52  }
0x1d7: {  	v0 =	vor.u32 $0x380, v0;
	s16 =	sor.u32 $0x280, s13;
	v58 =	vld.idx.msk [tilespmem:v53+s17+$0x0], $0xffff;
	[tilespmem:s14+$0x11000] =	vst v11  }
0x1d8: {  	v59 =	vor.u32 $0x380, v4;
	s18 =	sor.u32 $0x280, s15;
	v54 =	vld.idx.msk [tilespmem:v47+s17+$0x0], $0xffff;
	[tilespmem:s16+$0x11000] =	vst v48  }
0x1d9: {  	v55 =	vor.u32 $0x380, v10;
	s20 =	sor.u32 $0x380, s23;
	[tilespmem:s18+$0x11000] =	vst v50;
	v56 =	vld.idx.msk [tilespmem:v49+s17+$0x0], $0xffff  }
0x1da: {  	v7 =	vor.u32 $0x380, v7;
	[tilespmem:s20+$0x11000] =	vst v1;
	v57 =	vld.idx.msk [tilespmem:v51+s17+$0x0], $0xffff  }
0x1db: {  	v9 =	vor.u32 $0x380, v9;
	s26 =	sor.u32 $0x300, s4;
	v2 =	vld.idx.msk [tilespmem:v2+s17+$0x0], $0xffff;
	[tilespmem:s25+$0x11000] =	vst v3  }
0x1dc: {  	s22 =	sor.u32 $0x300, s12;
	v0 =	vld.idx.msk [tilespmem:v0+s17+$0x0], $0xffff;
	[tilespmem:s26+$0x11000] =	vst v58  }
0x1dd: {  	s23 =	sor.u32 $0x300, s13;
	v63 =	vld.idx.msk [tilespmem:v59+s17+$0x0], $0xffff;
	[tilespmem:s22+$0x11000] =	vst v54  }
0x1de: {  	s25 =	sor.u32 $0x300, s15;
	v60 =	vld.idx.msk [tilespmem:v55+s17+$0x0], $0xffff;
	[tilespmem:s23+$0x11000] =	vst v56  }
0x1df: {  	[tilespmem:s25+$0x11000] =	vst v57;
	v61 =	vld.idx.msk [tilespmem:v7+s17+$0x0], $0xffff  }
0x1e0: {  	[tilespmem:s24+$0x11000] =	vst v2;
	v62 =	vld.idx.msk [tilespmem:v9+s17+$0x0], $0xffff  }
0x1e1: {  	s31 =	sor.u32 $0x380, s4;
	[tilespmem:s1+$0x11000] =	vst v0  }
0x1e2: {  	s28 =	sor.u32 $0x380, s12;
	[tilespmem:s31+$0x11000] =	vst v63  }
0x1e3: {  	s29 =	sor.u32 $0x380, s13;
	[tilespmem:s28+$0x11000] =	vst v60  }
0x1e4: {  	s30 =	sor.u32 $0x380, s15;
	s4 =	simm.s32 $0x11600;
	[tilespmem:s29+$0x11000] =	vst v61  }
0x1e5: {  	s0 =	simm.s32 $0x11200;
	s12 =	sadd.s32 $0x0, s7;
	s1 =	simm.s32 $0x80;
	[tilespmem:s30+$0x11000] =	vst v62  }
.LBB2_13:
0x1e6: {  	[hbm4b:s12+s2] =	stream.linear.scatter [tilespmem:s0], [sflag:$0x5], $0x200, $0x38;
	[tilespmem:$0x19000] =	vst v63  }
0x1e7: {  	s12 =	smov.u32 s1;
	s0 =	smov.u32 s4;
	p1 =	seq.s32 s1, $0xF80  }
.Ltmp15:
0x1e8: {  	s1 =	sadd.s32 $0x80, s1;
	(pc) =	sbr.rel @!p1 .LBB2_13-.Ltmp15, $2  }
0x1e9: {  	_ =	sdelay $0x2  }
0x1ea: {  	s4 =	sadd.s32 $0x400, s4;
	s12 =	sadd.s32 s12, s7  }
.Ltmp16:
0x1eb: {  	(pc) =	sbr.rel .LBB2_28-.Ltmp16, $2  }
0x1ec: {  	_ =	sdelay $0x2  }
0x1ed: {  	[hbm4b:s12+s2] =	stream.linear.scatter [tilespmem:s0], [sflag:$0x5], $0x200, $0x38;
	[tilespmem:$0x19000] =	vst v63  }
.LBB2_29:
0x1ee: {  	_ =	sfence.sel $0x180000  }
0x1ef: {  	[bflag:$0x0] =	sbarrier.arrive $0xFFFF  }
0x1f0: {  	_ =	strace $0x90000047  }
0x1f1: {  	s0 =	stileid.u32;
	[bflag:$0x2] =	sbarrier.arrive $0xFFFF  }
0x1f2: {  	p0 =	sne.s32 s0, $0x0;
	s0 =	rddreg [dreg:$0x5]  }
0x1f3: {  	s0 =	sadd.s32 @!p0 $0x100000, s0  }
0x1f4: {  	[sflag:s0] =	ssyncadd.tile.s32 @!p0 $0x1;
	_ =	shalt  }
.Lfunc_end2:
_tile_overlayer_lowered:
.L_overlay_start_2:
0x1f5: {  	(tag) =	ssettag $0x2  }
0x1f6: {  	s0 =	rddreg [dreg:$0x0];
	s2 =	stileid.u32  }
0x1f7: {  	s1 =	rddreg [dreg:$0x1];
	p0 =	sne.s32 s2, $0x0  }
0x1f8: {  	s3 =	rddreg [dreg:$0x2];
	[bflag:$0x3] =	sbarrier.arrive $0xFFFF;
	s2 =	simm.s32 @!p0 $0x1C05  }
0x1f9: {  	[timem:s3], [sflag:s2] =	dma.local @!p0 [hbm:s0], s1  }
0x1fa: {  	s0 =	simm.s32 @!p0 $0x5  }
0x1fb: {  	_ =	swait.ge @!p0 [sflag:s0], s1  }
0x1fc: {  	s1 =	ssub.s32 @!p0 $0x0, s1;
	[sflag:s0] =	ssyncset.done @!p0 $0x0  }
0x1fd: {  	[sflag:s0] =	ssyncadd.s32 @!p0 s1  }
0x1fe: {  	[bflag:$0x3] =	sbarrier.arrive $0xFFFF  }
0x1ff: {  	_ =	shalt  }

</sc_bundles>
